<compile_context>
chip_gen: v7x
topology: tpu7x:2x2x1
jax: 0.10.2.dev20260603
libtpu: 0.0.44.dev20260713+nightly
codegen_flags: <defaults>
</compile_context>

<pallas_src>
import functools

import jax
import jax.numpy as jnp
from jax import lax
from jax.experimental import pallas as pl
from jax.experimental.pallas import tpu as pltpu
from jax.experimental.pallas import tpu_sc as plsc

N = 10000
D = 128
H = 64
E = 320000

NP = 10240
NC = 2
NS = 16
NW = NC * NS
EB = 128
EPT = 10240
NB = EPT // EB
CB = 40
EP = NW * EPT
RPS = NP // NS


@functools.cache
def _mesh():
    return plsc.VectorSubcoreMesh(core_axis_name="c", subcore_axis_name="s",
                                  num_cores=NC, num_subcores=NS)


@functools.cache
def _make_deg():
    return functools.partial(
        pl.kernel,
        out_type=jax.ShapeDtypeStruct((NC, NP), jnp.float32),
        mesh=_mesh(),
        scratch_types=[
            pltpu.VMEM((NB, EB), jnp.int32),
            pltpu.VMEM((EB,), jnp.float32),
            pltpu.VMEM_SHARED((NP,), jnp.float32),
        ],
        compiler_params=pltpu.CompilerParams(
            disable_bounds_checks=True, disable_semaphore_checks=True),
    )(_deg_body)


def _deg_body(dst_hbm, ones_hbm, zeros_hbm, deg_out, dst_v, ones_v, deg_sh):
    c = lax.axis_index("c")
    s = lax.axis_index("s")
    w = s * NC + c
    pltpu.sync_copy(dst_hbm.at[w], dst_v)
    pltpu.sync_copy(ones_hbm, ones_v)
    pltpu.sync_copy(zeros_hbm, deg_sh.at[pl.ds(s * RPS, RPS)])
    plsc.subcore_barrier()

    def body(j, carry):
        pltpu.sync_copy(ones_v, deg_sh.at[dst_v.at[j]], add=True)
        return carry

    lax.fori_loop(0, NB, body, 0)
    plsc.subcore_barrier()
    pltpu.sync_copy(deg_sh.at[pl.ds(s * RPS, RPS)],
                    deg_out.at[c, pl.ds(s * RPS, RPS)])


@functools.cache
def _make_agg(F):
    def _agg(hs_hbm, src_hbm, dst_hbm, zeros_hbm, acc_out,
             src_c, dst_c, rows0, rows1, acc_sh, gsem0, gsem1):
        c = lax.axis_index("c")
        s = lax.axis_index("s")
        w = s * NC + c
        pltpu.sync_copy(zeros_hbm, acc_sh.at[pl.ds(s * RPS, RPS)])
        plsc.subcore_barrier()

        def chunk(ck, carry):
            pltpu.sync_copy(src_hbm.at[w, pl.ds(ck * CB, CB)], src_c)
            pltpu.sync_copy(dst_hbm.at[w, pl.ds(ck * CB, CB)], dst_c)
            pltpu.async_copy(hs_hbm.at[src_c.at[0]], rows0, gsem0)

            def body(t, carry2):
                j0 = 2 * t
                j1 = j0 + 1
                pltpu.async_copy(hs_hbm.at[src_c.at[j1]], rows1, gsem1)
                pltpu.make_async_copy(hs_hbm.at[src_c.at[j0]], rows0,
                                      gsem0).wait()
                pltpu.sync_copy(rows0, acc_sh.at[dst_c.at[j0]], add=True)

                @pl.when(j1 + 1 < CB)
                def _():
                    pltpu.async_copy(hs_hbm.at[src_c.at[j1 + 1]], rows0,
                                     gsem0)

                pltpu.make_async_copy(hs_hbm.at[src_c.at[j1]], rows1,
                                      gsem1).wait()
                pltpu.sync_copy(rows1, acc_sh.at[dst_c.at[j1]], add=True)
                return carry2

            lax.fori_loop(0, CB // 2, body, 0, unroll=2)
            return carry

        lax.fori_loop(0, NB // CB, chunk, 0)
        plsc.subcore_barrier()
        pltpu.sync_copy(acc_sh.at[pl.ds(s * RPS, RPS)],
                        acc_out.at[c, pl.ds(s * RPS, RPS)])

    return functools.partial(
        pl.kernel,
        out_type=jax.ShapeDtypeStruct((NC, NP, F), jnp.float32),
        mesh=_mesh(),
        scratch_types=[
            pltpu.VMEM((CB, EB), jnp.int32),
            pltpu.VMEM((CB, EB), jnp.int32),
            pltpu.VMEM((EB, D), jnp.float32),
            pltpu.VMEM((EB, D), jnp.float32),
            pltpu.VMEM_SHARED((NP, F), jnp.float32),
            pltpu.SemaphoreType.DMA,
            pltpu.SemaphoreType.DMA,
        ],
        compiler_params=pltpu.CompilerParams(
            disable_bounds_checks=True, disable_semaphore_checks=True),
    )(_agg)



BR = 5120
GR = NP // BR


def _mm1a_body(emb_ref, w1_ref, h1_ref):
    h1_ref[...] = jnp.dot(emb_ref[...], w1_ref[...],
                          preferred_element_type=jnp.float32)


_mm1a = pl.pallas_call(
    _mm1a_body,
    grid=(GR,),
    in_specs=[
        pl.BlockSpec((BR, D), lambda i: (i, 0)),
        pl.BlockSpec((D, H), lambda i: (0, 0)),
    ],
    out_specs=pl.BlockSpec((BR, H), lambda i: (i, 0)),
    out_shape=jax.ShapeDtypeStruct((NP, H), jnp.float32),
)


def _mm1b_body(h1_ref, degp_ref, hs1_ref, dinv_ref):
    deg = degp_ref[0] + degp_ref[1] + 1.0
    dinv = lax.rsqrt(deg)
    h = h1_ref[...]
    hs1_ref[...] = jnp.concatenate([h * dinv, jnp.zeros_like(h)], axis=1)
    dinv_ref[...] = dinv


_mm1b = pl.pallas_call(
    _mm1b_body,
    grid=(GR,),
    in_specs=[
        pl.BlockSpec((BR, H), lambda i: (i, 0)),
        pl.BlockSpec((2, BR, 1), lambda i: (0, i, 0)),
    ],
    out_specs=[
        pl.BlockSpec((BR, D), lambda i: (i, 0)),
        pl.BlockSpec((BR, 1), lambda i: (i, 0)),
    ],
    out_shape=[
        jax.ShapeDtypeStruct((NP, D), jnp.float32),
        jax.ShapeDtypeStruct((NP, 1), jnp.float32),
    ],
)


def _mm2_body(acc_ref, hs1_ref, dinv_ref, b1_ref, w2_ref, hs2_ref):
    agg = acc_ref[0, :, :H] + acc_ref[1, :, :H] + hs1_ref[:, :H]
    o1 = jnp.maximum(agg * dinv_ref[...] + b1_ref[...], 0.0)
    h2 = jnp.dot(o1, w2_ref[...], preferred_element_type=jnp.float32)
    hs2_ref[...] = h2 * dinv_ref[...]


_mm2 = pl.pallas_call(
    _mm2_body,
    grid=(GR,),
    in_specs=[
        pl.BlockSpec((2, BR, D), lambda i: (0, i, 0)),
        pl.BlockSpec((BR, D), lambda i: (i, 0)),
        pl.BlockSpec((BR, 1), lambda i: (i, 0)),
        pl.BlockSpec((1, H), lambda i: (0, 0)),
        pl.BlockSpec((H, D), lambda i: (0, 0)),
    ],
    out_specs=pl.BlockSpec((BR, D), lambda i: (i, 0)),
    out_shape=jax.ShapeDtypeStruct((NP, D), jnp.float32),
)


def _fin_body(acc_ref, hs2_ref, dinv_ref, b2_ref, out_ref):
    agg = acc_ref[0] + acc_ref[1] + hs2_ref[...]
    out_ref[...] = jnp.maximum(agg * dinv_ref[...] + b2_ref[...], 0.0)


_fin = pl.pallas_call(
    _fin_body,
    grid=(GR,),
    in_specs=[
        pl.BlockSpec((2, BR, D), lambda i: (0, i, 0)),
        pl.BlockSpec((BR, D), lambda i: (i, 0)),
        pl.BlockSpec((BR, 1), lambda i: (i, 0)),
        pl.BlockSpec((1, D), lambda i: (0, 0)),
    ],
    out_specs=pl.BlockSpec((BR, D), lambda i: (i, 0)),
    out_shape=jax.ShapeDtypeStruct((N, D), jnp.float32),
)



def kernel(embedding, edge_index, W1, b1, W2, b2):
    ei = edge_index.astype(jnp.int32)
    pad_idx = N + (jnp.arange(EP - E, dtype=jnp.int32) % (NP - N))
    src = jnp.concatenate([ei[0], pad_idx]).reshape(NW, NB, EB)
    dst = jnp.concatenate([ei[1], pad_idx]).reshape(NW, NB, EB)
    zd = jnp.zeros((RPS,), jnp.float32)
    z2 = jnp.zeros((RPS, D), jnp.float32)

    ones = jnp.ones((EB,), jnp.float32)
    h1 = _mm1a(embedding, W1)
    degp = _make_deg()(dst, ones, zd)
    hs1, dinv = _mm1b(h1, degp.reshape(NC, NP, 1))
    acc1 = _make_agg(D)(hs1, src, dst, z2)
    hs2 = _mm2(acc1, hs1, dinv, b1.reshape(1, H), W2)
    acc2 = _make_agg(D)(hs2, src, dst, z2)
    return _fin(acc2, hs2, dinv, b2.reshape(1, D))

# --- scband reference (transcript-rebuilt; emitter-appended) ---
"""Pipeline reference for scband-graph-model-23261542875812 (READ-ONLY COPY).

The authoritative reference and input builder live on the scoring server;
editing this copy changes nothing except your own understanding.
"""

import jax, jax.numpy as jnp
import numpy as np

N_NODES = 10000
D_FEAT = 128
HIDDEN = 64
N_EDGES = 320000


def setup_inputs(seed: int = 0) -> dict:
    key = jax.random.key(seed)
    k1, k2, k3, k4, k5, k6 = jax.random.split(key, 6)
    embedding = jax.random.normal(k1, (N_NODES, D_FEAT), dtype=jnp.float32)
    edge_index = jax.random.randint(k2, (2, N_EDGES), 0, N_NODES, dtype=jnp.int64)
    # GCNConv glorot-initialized weights, zero bias (as in torch_geometric defaults)
    s1 = (6.0 / (D_FEAT + HIDDEN)) ** 0.5
    W1 = jax.random.uniform(k3, (D_FEAT, HIDDEN), dtype=jnp.float32, minval=-s1, maxval=s1)
    b1 = jnp.zeros((HIDDEN,), dtype=jnp.float32)
    s2 = (6.0 / (HIDDEN + D_FEAT)) ** 0.5
    W2 = jax.random.uniform(k4, (HIDDEN, D_FEAT), dtype=jnp.float32, minval=-s2, maxval=s2)
    b2 = jnp.zeros((D_FEAT,), dtype=jnp.float32)
    return {"embedding": embedding, "edge_index": edge_index, "W1": W1, "b1": b1, "W2": W2, "b2": b2}


def _gcn_conv(x, edge_index, W, b, num_nodes):
    # GCNConv: D^-1/2 (A + I) D^-1/2 X W + b  (with self loops, sym norm)
    loop = jnp.arange(num_nodes, dtype=edge_index.dtype)
    src = jnp.concatenate([edge_index[0], loop])
    dst = jnp.concatenate([edge_index[1], loop])
    deg = jnp.zeros((num_nodes,), dtype=x.dtype).at[dst].add(1.0)
    dinv = jnp.where(deg > 0, deg ** -0.5, 0.0)
    norm = dinv[src] * dinv[dst]
    h = x @ W
    msg = h[src] * norm[:, None]
    out = jnp.zeros((num_nodes, W.shape[1]), dtype=x.dtype).at[dst].add(msg)
    return out + b


def reference(embedding, edge_index, W1, b1, W2, b2):
    rho_full1 = jax.nn.relu(_gcn_conv(embedding, edge_index, W1, b1, N_NODES))
    rho_full2 = jax.nn.relu(_gcn_conv(rho_full1, edge_index, W2, b2, N_NODES))
    return rho_full2

if __name__ == "__main__":
    import jax
    _d = setup_inputs()
    print(jax.jit(kernel)(*tuple(_d.values())))

</pallas_src>

<mosaic_0001>
#map = affine_map<(d0, d1) -> (0, 0, 0)>
#map1 = affine_map<(d0, d1) -> (0)>
#map2 = affine_map<(d0, d1) -> (0, 0)>
module attributes {stable_mosaic.version = 14 : i64} {
  func.func @_deg_body(%arg0: i32, %arg1: i32, %arg2: memref<32x80x128xi32, #tpu.memory_space<hbm>>, %arg3: memref<128xf32, #tpu.memory_space<hbm>>, %arg4: memref<640xf32, #tpu.memory_space<hbm>>, %arg5: memref<2x10240xf32, #tpu.memory_space<hbm>>, %arg6: memref<80x128xi32, #tpu.memory_space<vmem>>, %arg7: memref<128xf32, #tpu.memory_space<vmem>>, %arg8: memref<10240xf32, #tpu.memory_space<vmem_shared>>) attributes {dimension_semantics = [#tpu.dimension_semantics<core_parallel>, #tpu.dimension_semantics<subcore_parallel>], iteration_bounds = array<i64: 2, 16>, scalar_prefetch = 0 : i64, scratch_operands = 3 : i64, tpu.core_type = #tpu.core_type<sc_vector_subcore>, window_params = [{transform_indices = #map}, {transform_indices = #map1}, {transform_indices = #map1}, {transform_indices = #map2}]} {
    %mul3A = arith.constant 2 : i32
    %mul3A_0 = arith.muli %arg1, %mul3A : i32
    %add3A = arith.addi %mul3A_0, %arg0 : i32
    "tpu.region"() ({
      %run_scoped3A = tpu.sem_alloc : memref<!tpu.dma_semaphore, #tpu.memory_space<semaphore_mem>>
      %dma_start3A = arith.constant 0 : i32
      %dma_start3A_13 = arith.constant 0 : i32
      %dma_start3A_14 = tpu.memref_slice %arg2[%add3A, %dma_start3A, %dma_start3A_13] : memref<32x80x128xi32, #tpu.memory_space<hbm>> -> memref<1x80x128xi32, #tpu.memory_space<hbm>>
      %dma_start3A_15 = tpu.memref_squeeze %dma_start3A_14 : memref<1x80x128xi32, #tpu.memory_space<hbm>> -> memref<80x128xi32, #tpu.memory_space<hbm>>
      %dma_start3A_16 = arith.constant 0 : i32
      %dma_start3A_17 = arith.constant 0 : i32
      %dma_start3A_18 = tpu.memref_slice %arg2[%add3A, %dma_start3A_16, %dma_start3A_17] : memref<32x80x128xi32, #tpu.memory_space<hbm>> -> memref<1x80x128xi32, #tpu.memory_space<hbm>>
      %dma_start3A_19 = tpu.memref_squeeze %dma_start3A_18 : memref<1x80x128xi32, #tpu.memory_space<hbm>> -> memref<80x128xi32, #tpu.memory_space<hbm>>
      tpu.enqueue_dma source(%dma_start3A_19 : memref<80x128xi32, #tpu.memory_space<hbm>>) target(%arg6 : memref<80x128xi32, #tpu.memory_space<vmem>>) target_semaphore(%run_scoped3A : memref<!tpu.dma_semaphore, #tpu.memory_space<semaphore_mem>>)
      %dma_wait3A = arith.constant 0 : i32
      %dma_wait3A_20 = arith.constant 0 : i32
      %dma_wait3A_21 = tpu.memref_slice %arg2[%add3A, %dma_wait3A, %dma_wait3A_20] : memref<32x80x128xi32, #tpu.memory_space<hbm>> -> memref<1x80x128xi32, #tpu.memory_space<hbm>>
      %dma_wait3A_22 = tpu.memref_squeeze %dma_wait3A_21 : memref<1x80x128xi32, #tpu.memory_space<hbm>> -> memref<80x128xi32, #tpu.memory_space<hbm>>
      %dma_wait3A_23 = arith.constant 0 : i32
      %dma_wait3A_24 = arith.constant 0 : i32
      %dma_wait3A_25 = tpu.memref_slice %arg2[%add3A, %dma_wait3A_23, %dma_wait3A_24] : memref<32x80x128xi32, #tpu.memory_space<hbm>> -> memref<1x80x128xi32, #tpu.memory_space<hbm>>
      %dma_wait3A_26 = tpu.memref_squeeze %dma_wait3A_25 : memref<1x80x128xi32, #tpu.memory_space<hbm>> -> memref<80x128xi32, #tpu.memory_space<hbm>>
      tpu.wait_dma2 semaphore(%run_scoped3A : memref<!tpu.dma_semaphore, #tpu.memory_space<semaphore_mem>>) src(%dma_wait3A_26 : memref<80x128xi32, #tpu.memory_space<hbm>>) dst(%arg6 : memref<80x128xi32, #tpu.memory_space<vmem>>)
      tpu.yield
    }) : () -> ()
    "tpu.region"() ({
      %run_scoped3A = tpu.sem_alloc : memref<!tpu.dma_semaphore, #tpu.memory_space<semaphore_mem>>
      tpu.enqueue_dma source(%arg3 : memref<128xf32, #tpu.memory_space<hbm>>) target(%arg7 : memref<128xf32, #tpu.memory_space<vmem>>) target_semaphore(%run_scoped3A : memref<!tpu.dma_semaphore, #tpu.memory_space<semaphore_mem>>)
      tpu.wait_dma2 semaphore(%run_scoped3A : memref<!tpu.dma_semaphore, #tpu.memory_space<semaphore_mem>>) src(%arg3 : memref<128xf32, #tpu.memory_space<hbm>>) dst(%arg7 : memref<128xf32, #tpu.memory_space<vmem>>)
      tpu.yield
    }) : () -> ()
    %mul3A_1 = arith.constant 640 : i32
    %mul3A_2 = arith.muli %arg1, %mul3A_1 : i32
    "tpu.region"() ({
      %run_scoped3A = tpu.sem_alloc : memref<!tpu.dma_semaphore, #tpu.memory_space<semaphore_mem>>
      %dma_start3A = tpu.memref_slice %arg8[%mul3A_2] : memref<10240xf32, #tpu.memory_space<vmem_shared>> -> memref<640xf32, #tpu.memory_space<vmem_shared>>
      tpu.enqueue_dma source(%arg4 : memref<640xf32, #tpu.memory_space<hbm>>) target(%dma_start3A : memref<640xf32, #tpu.memory_space<vmem_shared>>) target_semaphore(%run_scoped3A : memref<!tpu.dma_semaphore, #tpu.memory_space<semaphore_mem>>)
      %dma_wait3A = tpu.memref_slice %arg8[%mul3A_2] : memref<10240xf32, #tpu.memory_space<vmem_shared>> -> memref<640xf32, #tpu.memory_space<vmem_shared>>
      tpu.wait_dma2 semaphore(%run_scoped3A : memref<!tpu.dma_semaphore, #tpu.memory_space<semaphore_mem>>) src(%arg4 : memref<640xf32, #tpu.memory_space<hbm>>) dst(%dma_wait3A : memref<640xf32, #tpu.memory_space<vmem_shared>>)
      tpu.yield
    }) : () -> ()
    %barrier3A = arith.constant 0 : index
    tpu.barrier barrier_id(%barrier3A)
    %scan3A = arith.constant 0 : i32
    %scan3A_3 = arith.constant 0 : i32
    %scan3A_4 = arith.constant 80 : i32
    %scan3A_5 = arith.addi %scan3A_3, %scan3A_4 : i32
    %scan3A_6 = arith.constant 1 : i32
    scf.for %scan3A_13 = %scan3A_3 to %scan3A_5 step %scan3A_6  : i32 {
      "tpu.region"() ({
        %run_scoped3A = tpu.sem_alloc : memref<!tpu.dma_semaphore, #tpu.memory_space<semaphore_mem>>
        %dma_start3A = arith.constant 0 : i32
        %dma_start3A_14 = tpu.memref_slice %arg6[%scan3A_13, %dma_start3A] : memref<80x128xi32, #tpu.memory_space<vmem>> -> memref<1x128xi32, #tpu.memory_space<vmem>>
        %dma_start3A_15 = tpu.memref_squeeze %dma_start3A_14 : memref<1x128xi32, #tpu.memory_space<vmem>> -> memref<128xi32, #tpu.memory_space<vmem>>
        %dma_start3A_16 = arith.constant 0 : i32
        %dma_start3A_17 = tpu.memref_slice %arg8[%dma_start3A_16] : memref<10240xf32, #tpu.memory_space<vmem_shared>> -> memref<10240xf32, #tpu.memory_space<vmem_shared>>
        tpu.enqueue_indirect_dma source(%arg7 : memref<128xf32, #tpu.memory_space<vmem>>) target(%dma_start3A_17 : memref<10240xf32, #tpu.memory_space<vmem_shared>>) offsets(%dma_start3A_15 : memref<128xi32, #tpu.memory_space<vmem>>) semaphore(%run_scoped3A : memref<!tpu.dma_semaphore, #tpu.memory_space<semaphore_mem>>) {add = true}
        %dma_wait3A = arith.constant 0 : i32
        %dma_wait3A_18 = tpu.memref_slice %arg6[%scan3A_13, %dma_wait3A] : memref<80x128xi32, #tpu.memory_space<vmem>> -> memref<1x128xi32, #tpu.memory_space<vmem>>
        %dma_wait3A_19 = tpu.memref_squeeze %dma_wait3A_18 : memref<1x128xi32, #tpu.memory_space<vmem>> -> memref<128xi32, #tpu.memory_space<vmem>>
        %dma_wait3A_20 = arith.constant 0 : i32
        %dma_wait3A_21 = tpu.memref_slice %arg8[%dma_wait3A_20] : memref<10240xf32, #tpu.memory_space<vmem_shared>> -> memref<10240xf32, #tpu.memory_space<vmem_shared>>
        tpu.wait_indirect_dma semaphore(%run_scoped3A : memref<!tpu.dma_semaphore, #tpu.memory_space<semaphore_mem>>) src(%arg7 : memref<128xf32, #tpu.memory_space<vmem>>) dst(%dma_wait3A_21 : memref<10240xf32, #tpu.memory_space<vmem_shared>>)
        tpu.yield
      }) : () -> ()
    }
    %scan3A_7 = arith.constant 80 : i32
    %barrier3A_8 = arith.constant 0 : index
    tpu.barrier barrier_id(%barrier3A_8)
    %mul3A_9 = arith.constant 640 : i32
    %mul3A_10 = arith.muli %arg1, %mul3A_9 : i32
    %mul3A_11 = arith.constant 640 : i32
    %mul3A_12 = arith.muli %arg1, %mul3A_11 : i32
    "tpu.region"() ({
      %run_scoped3A = tpu.sem_alloc : memref<!tpu.dma_semaphore, #tpu.memory_space<semaphore_mem>>
      %dma_start3A = tpu.memref_slice %arg5[%arg0, %mul3A_12] : memref<2x10240xf32, #tpu.memory_space<hbm>> -> memref<1x640xf32, #tpu.memory_space<hbm>>
      %dma_start3A_13 = tpu.memref_squeeze %dma_start3A : memref<1x640xf32, #tpu.memory_space<hbm>> -> memref<640xf32, #tpu.memory_space<hbm>>
      %dma_start3A_14 = tpu.memref_slice %arg8[%mul3A_10] : memref<10240xf32, #tpu.memory_space<vmem_shared>> -> memref<640xf32, #tpu.memory_space<vmem_shared>>
      tpu.enqueue_dma source(%dma_start3A_14 : memref<640xf32, #tpu.memory_space<vmem_shared>>) target(%dma_start3A_13 : memref<640xf32, #tpu.memory_space<hbm>>) target_semaphore(%run_scoped3A : memref<!tpu.dma_semaphore, #tpu.memory_space<semaphore_mem>>)
      %dma_wait3A = tpu.memref_slice %arg5[%arg0, %mul3A_12] : memref<2x10240xf32, #tpu.memory_space<hbm>> -> memref<1x640xf32, #tpu.memory_space<hbm>>
      %dma_wait3A_15 = tpu.memref_squeeze %dma_wait3A : memref<1x640xf32, #tpu.memory_space<hbm>> -> memref<640xf32, #tpu.memory_space<hbm>>
      %dma_wait3A_16 = tpu.memref_slice %arg8[%mul3A_10] : memref<10240xf32, #tpu.memory_space<vmem_shared>> -> memref<640xf32, #tpu.memory_space<vmem_shared>>
      tpu.wait_dma2 semaphore(%run_scoped3A : memref<!tpu.dma_semaphore, #tpu.memory_space<semaphore_mem>>) src(%dma_wait3A_16 : memref<640xf32, #tpu.memory_space<vmem_shared>>) dst(%dma_wait3A_15 : memref<640xf32, #tpu.memory_space<hbm>>)
      tpu.yield
    }) : () -> ()
    return
  }
}

#map = affine_map<(d0, d1) -> (0, 0)>
#map1 = affine_map<(d0, d1) -> (0, 0, 0)>
module attributes {stable_mosaic.version = 14 : i64} {
  func.func @_agg(%arg0: i32, %arg1: i32, %arg2: memref<10240x128xf32, #tpu.memory_space<hbm>>, %arg3: memref<32x80x128xi32, #tpu.memory_space<hbm>>, %arg4: memref<32x80x128xi32, #tpu.memory_space<hbm>>, %arg5: memref<640x128xf32, #tpu.memory_space<hbm>>, %arg6: memref<2x10240x128xf32, #tpu.memory_space<hbm>>, %arg7: memref<40x128xi32, #tpu.memory_space<vmem>>, %arg8: memref<40x128xi32, #tpu.memory_space<vmem>>, %arg9: memref<128x128xf32, #tpu.memory_space<vmem>>, %arg10: memref<128x128xf32, #tpu.memory_space<vmem>>, %arg11: memref<10240x128xf32, #tpu.memory_space<vmem_shared>>, %arg12: memref<!tpu.dma_semaphore, #tpu.memory_space<semaphore_mem>>, %arg13: memref<!tpu.dma_semaphore, #tpu.memory_space<semaphore_mem>>) attributes {dimension_semantics = [#tpu.dimension_semantics<core_parallel>, #tpu.dimension_semantics<subcore_parallel>], iteration_bounds = array<i64: 2, 16>, scalar_prefetch = 0 : i64, scratch_operands = 7 : i64, tpu.core_type = #tpu.core_type<sc_vector_subcore>, window_params = [{transform_indices = #map}, {transform_indices = #map1}, {transform_indices = #map1}, {transform_indices = #map}, {transform_indices = #map1}]} {
    %mul3A = arith.constant 2 : i32
    %mul3A_0 = arith.muli %arg1, %mul3A : i32
    %add3A = arith.addi %mul3A_0, %arg0 : i32
    %mul3A_1 = arith.constant 640 : i32
    %mul3A_2 = arith.muli %arg1, %mul3A_1 : i32
    "tpu.region"() ({
      %run_scoped3A = tpu.sem_alloc : memref<!tpu.dma_semaphore, #tpu.memory_space<semaphore_mem>>
      %dma_start3A = arith.constant 0 : i32
      %dma_start3A_13 = tpu.memref_slice %arg11[%mul3A_2, %dma_start3A] : memref<10240x128xf32, #tpu.memory_space<vmem_shared>> -> memref<640x128xf32, #tpu.memory_space<vmem_shared>>
      tpu.enqueue_dma source(%arg5 : memref<640x128xf32, #tpu.memory_space<hbm>>) target(%dma_start3A_13 : memref<640x128xf32, #tpu.memory_space<vmem_shared>>) target_semaphore(%run_scoped3A : memref<!tpu.dma_semaphore, #tpu.memory_space<semaphore_mem>>)
      %dma_wait3A = arith.constant 0 : i32
      %dma_wait3A_14 = tpu.memref_slice %arg11[%mul3A_2, %dma_wait3A] : memref<10240x128xf32, #tpu.memory_space<vmem_shared>> -> memref<640x128xf32, #tpu.memory_space<vmem_shared>>
      tpu.wait_dma2 semaphore(%run_scoped3A : memref<!tpu.dma_semaphore, #tpu.memory_space<semaphore_mem>>) src(%arg5 : memref<640x128xf32, #tpu.memory_space<hbm>>) dst(%dma_wait3A_14 : memref<640x128xf32, #tpu.memory_space<vmem_shared>>)
      tpu.yield
    }) : () -> ()
    %barrier3A = arith.constant 0 : index
    tpu.barrier barrier_id(%barrier3A)
    %scan3A = arith.constant 0 : i32
    %scan3A_3 = arith.constant 0 : i32
    %scan3A_4 = arith.constant 2 : i32
    %scan3A_5 = arith.addi %scan3A_3, %scan3A_4 : i32
    %scan3A_6 = arith.constant 1 : i32
    scf.for %scan3A_13 = %scan3A_3 to %scan3A_5 step %scan3A_6  : i32 {
      %mul3A_14 = arith.constant 40 : i32
      %mul3A_15 = arith.muli %scan3A_13, %mul3A_14 : i32
      "tpu.region"() ({
        %run_scoped3A = tpu.sem_alloc : memref<!tpu.dma_semaphore, #tpu.memory_space<semaphore_mem>>
        %dma_start3A_30 = arith.constant 0 : i32
        %dma_start3A_31 = tpu.memref_slice %arg3[%add3A, %mul3A_15, %dma_start3A_30] : memref<32x80x128xi32, #tpu.memory_space<hbm>> -> memref<1x40x128xi32, #tpu.memory_space<hbm>>
        %dma_start3A_32 = tpu.memref_squeeze %dma_start3A_31 : memref<1x40x128xi32, #tpu.memory_space<hbm>> -> memref<40x128xi32, #tpu.memory_space<hbm>>
        %dma_start3A_33 = arith.constant 0 : i32
        %dma_start3A_34 = tpu.memref_slice %arg3[%add3A, %mul3A_15, %dma_start3A_33] : memref<32x80x128xi32, #tpu.memory_space<hbm>> -> memref<1x40x128xi32, #tpu.memory_space<hbm>>
        %dma_start3A_35 = tpu.memref_squeeze %dma_start3A_34 : memref<1x40x128xi32, #tpu.memory_space<hbm>> -> memref<40x128xi32, #tpu.memory_space<hbm>>
        tpu.enqueue_dma source(%dma_start3A_35 : memref<40x128xi32, #tpu.memory_space<hbm>>) target(%arg7 : memref<40x128xi32, #tpu.memory_space<vmem>>) target_semaphore(%run_scoped3A : memref<!tpu.dma_semaphore, #tpu.memory_space<semaphore_mem>>)
        %dma_wait3A = arith.constant 0 : i32
        %dma_wait3A_36 = tpu.memref_slice %arg3[%add3A, %mul3A_15, %dma_wait3A] : memref<32x80x128xi32, #tpu.memory_space<hbm>> -> memref<1x40x128xi32, #tpu.memory_space<hbm>>
        %dma_wait3A_37 = tpu.memref_squeeze %dma_wait3A_36 : memref<1x40x128xi32, #tpu.memory_space<hbm>> -> memref<40x128xi32, #tpu.memory_space<hbm>>
        %dma_wait3A_38 = arith.constant 0 : i32
        %dma_wait3A_39 = tpu.memref_slice %arg3[%add3A, %mul3A_15, %dma_wait3A_38] : memref<32x80x128xi32, #tpu.memory_space<hbm>> -> memref<1x40x128xi32, #tpu.memory_space<hbm>>
        %dma_wait3A_40 = tpu.memref_squeeze %dma_wait3A_39 : memref<1x40x128xi32, #tpu.memory_space<hbm>> -> memref<40x128xi32, #tpu.memory_space<hbm>>
        tpu.wait_dma2 semaphore(%run_scoped3A : memref<!tpu.dma_semaphore, #tpu.memory_space<semaphore_mem>>) src(%dma_wait3A_40 : memref<40x128xi32, #tpu.memory_space<hbm>>) dst(%arg7 : memref<40x128xi32, #tpu.memory_space<vmem>>)
        tpu.yield
      }) : () -> ()
      %mul3A_16 = arith.constant 40 : i32
      %mul3A_17 = arith.muli %scan3A_13, %mul3A_16 : i32
      "tpu.region"() ({
        %run_scoped3A = tpu.sem_alloc : memref<!tpu.dma_semaphore, #tpu.memory_space<semaphore_mem>>
        %dma_start3A_30 = arith.constant 0 : i32
        %dma_start3A_31 = tpu.memref_slice %arg4[%add3A, %mul3A_17, %dma_start3A_30] : memref<32x80x128xi32, #tpu.memory_space<hbm>> -> memref<1x40x128xi32, #tpu.memory_space<hbm>>
        %dma_start3A_32 = tpu.memref_squeeze %dma_start3A_31 : memref<1x40x128xi32, #tpu.memory_space<hbm>> -> memref<40x128xi32, #tpu.memory_space<hbm>>
        %dma_start3A_33 = arith.constant 0 : i32
        %dma_start3A_34 = tpu.memref_slice %arg4[%add3A, %mul3A_17, %dma_start3A_33] : memref<32x80x128xi32, #tpu.memory_space<hbm>> -> memref<1x40x128xi32, #tpu.memory_space<hbm>>
        %dma_start3A_35 = tpu.memref_squeeze %dma_start3A_34 : memref<1x40x128xi32, #tpu.memory_space<hbm>> -> memref<40x128xi32, #tpu.memory_space<hbm>>
        tpu.enqueue_dma source(%dma_start3A_35 : memref<40x128xi32, #tpu.memory_space<hbm>>) target(%arg8 : memref<40x128xi32, #tpu.memory_space<vmem>>) target_semaphore(%run_scoped3A : memref<!tpu.dma_semaphore, #tpu.memory_space<semaphore_mem>>)
        %dma_wait3A = arith.constant 0 : i32
        %dma_wait3A_36 = tpu.memref_slice %arg4[%add3A, %mul3A_17, %dma_wait3A] : memref<32x80x128xi32, #tpu.memory_space<hbm>> -> memref<1x40x128xi32, #tpu.memory_space<hbm>>
        %dma_wait3A_37 = tpu.memref_squeeze %dma_wait3A_36 : memref<1x40x128xi32, #tpu.memory_space<hbm>> -> memref<40x128xi32, #tpu.memory_space<hbm>>
        %dma_wait3A_38 = arith.constant 0 : i32
        %dma_wait3A_39 = tpu.memref_slice %arg4[%add3A, %mul3A_17, %dma_wait3A_38] : memref<32x80x128xi32, #tpu.memory_space<hbm>> -> memref<1x40x128xi32, #tpu.memory_space<hbm>>
        %dma_wait3A_40 = tpu.memref_squeeze %dma_wait3A_39 : memref<1x40x128xi32, #tpu.memory_space<hbm>> -> memref<40x128xi32, #tpu.memory_space<hbm>>
        tpu.wait_dma2 semaphore(%run_scoped3A : memref<!tpu.dma_semaphore, #tpu.memory_space<semaphore_mem>>) src(%dma_wait3A_40 : memref<40x128xi32, #tpu.memory_space<hbm>>) dst(%arg8 : memref<40x128xi32, #tpu.memory_space<vmem>>)
        tpu.yield
      }) : () -> ()
      %dma_start3A = arith.constant 0 : i32
      %dma_start3A_18 = arith.constant 0 : i32
      %dma_start3A_19 = tpu.memref_slice %arg7[%dma_start3A, %dma_start3A_18] : memref<40x128xi32, #tpu.memory_space<vmem>> -> memref<1x128xi32, #tpu.memory_space<vmem>>
      %dma_start3A_20 = tpu.memref_squeeze %dma_start3A_19 : memref<1x128xi32, #tpu.memory_space<vmem>> -> memref<128xi32, #tpu.memory_space<vmem>>
      %dma_start3A_21 = arith.constant 0 : i32
      %dma_start3A_22 = arith.constant 0 : i32
      %dma_start3A_23 = tpu.memref_slice %arg2[%dma_start3A_21, %dma_start3A_22] : memref<10240x128xf32, #tpu.memory_space<hbm>> -> memref<10240x128xf32, #tpu.memory_space<hbm>>
      tpu.enqueue_indirect_dma source(%dma_start3A_23 : memref<10240x128xf32, #tpu.memory_space<hbm>>) target(%arg9 : memref<128x128xf32, #tpu.memory_space<vmem>>) offsets(%dma_start3A_20 : memref<128xi32, #tpu.memory_space<vmem>>) semaphore(%arg12 : memref<!tpu.dma_semaphore, #tpu.memory_space<semaphore_mem>>)
      %scan3A_24 = arith.constant 0 : i32
      %scan3A_25 = arith.constant 0 : i32
      %scan3A_26 = arith.constant 20 : i32
      %scan3A_27 = arith.addi %scan3A_25, %scan3A_26 : i32
      %scan3A_28 = arith.constant 2 : i32
      scf.for %scan3A_30 = %scan3A_25 to %scan3A_27 step %scan3A_28  : i32 {
        %mul3A_31 = arith.constant 2 : i32
        %mul3A_32 = arith.muli %mul3A_31, %scan3A_30 : i32
        %add3A_33 = arith.constant 1 : i32
        %add3A_34 = arith.addi %mul3A_32, %add3A_33 : i32
        %dma_start3A_35 = arith.constant 0 : i32
        %dma_start3A_36 = tpu.memref_slice %arg7[%add3A_34, %dma_start3A_35] : memref<40x128xi32, #tpu.memory_space<vmem>> -> memref<1x128xi32, #tpu.memory_space<vmem>>
        %dma_start3A_37 = tpu.memref_squeeze %dma_start3A_36 : memref<1x128xi32, #tpu.memory_space<vmem>> -> memref<128xi32, #tpu.memory_space<vmem>>
        %dma_start3A_38 = arith.constant 0 : i32
        %dma_start3A_39 = arith.constant 0 : i32
        %dma_start3A_40 = tpu.memref_slice %arg2[%dma_start3A_38, %dma_start3A_39] : memref<10240x128xf32, #tpu.memory_space<hbm>> -> memref<10240x128xf32, #tpu.memory_space<hbm>>
        tpu.enqueue_indirect_dma source(%dma_start3A_40 : memref<10240x128xf32, #tpu.memory_space<hbm>>) target(%arg10 : memref<128x128xf32, #tpu.memory_space<vmem>>) offsets(%dma_start3A_37 : memref<128xi32, #tpu.memory_space<vmem>>) semaphore(%arg13 : memref<!tpu.dma_semaphore, #tpu.memory_space<semaphore_mem>>)
        %dma_wait3A = arith.constant 0 : i32
        %dma_wait3A_41 = tpu.memref_slice %arg7[%mul3A_32, %dma_wait3A] : memref<40x128xi32, #tpu.memory_space<vmem>> -> memref<1x128xi32, #tpu.memory_space<vmem>>
        %dma_wait3A_42 = tpu.memref_squeeze %dma_wait3A_41 : memref<1x128xi32, #tpu.memory_space<vmem>> -> memref<128xi32, #tpu.memory_space<vmem>>
        %dma_wait3A_43 = arith.constant 0 : i32
        %dma_wait3A_44 = arith.constant 0 : i32
        %dma_wait3A_45 = tpu.memref_slice %arg2[%dma_wait3A_43, %dma_wait3A_44] : memref<10240x128xf32, #tpu.memory_space<hbm>> -> memref<10240x128xf32, #tpu.memory_space<hbm>>
        tpu.wait_indirect_dma semaphore(%arg12 : memref<!tpu.dma_semaphore, #tpu.memory_space<semaphore_mem>>) src(%dma_wait3A_45 : memref<10240x128xf32, #tpu.memory_space<hbm>>) dst(%arg9 : memref<128x128xf32, #tpu.memory_space<vmem>>)
        "tpu.region"() ({
          %run_scoped3A = tpu.sem_alloc : memref<!tpu.dma_semaphore, #tpu.memory_space<semaphore_mem>>
          %dma_start3A_87 = arith.constant 0 : i32
          %dma_start3A_88 = tpu.memref_slice %arg8[%mul3A_32, %dma_start3A_87] : memref<40x128xi32, #tpu.memory_space<vmem>> -> memref<1x128xi32, #tpu.memory_space<vmem>>
          %dma_start3A_89 = tpu.memref_squeeze %dma_start3A_88 : memref<1x128xi32, #tpu.memory_space<vmem>> -> memref<128xi32, #tpu.memory_space<vmem>>
          %dma_start3A_90 = arith.constant 0 : i32
          %dma_start3A_91 = arith.constant 0 : i32
          %dma_start3A_92 = tpu.memref_slice %arg11[%dma_start3A_90, %dma_start3A_91] : memref<10240x128xf32, #tpu.memory_space<vmem_shared>> -> memref<10240x128xf32, #tpu.memory_space<vmem_shared>>
          tpu.enqueue_indirect_dma source(%arg9 : memref<128x128xf32, #tpu.memory_space<vmem>>) target(%dma_start3A_92 : memref<10240x128xf32, #tpu.memory_space<vmem_shared>>) offsets(%dma_start3A_89 : memref<128xi32, #tpu.memory_space<vmem>>) semaphore(%run_scoped3A : memref<!tpu.dma_semaphore, #tpu.memory_space<semaphore_mem>>) {add = true}
          %dma_wait3A_93 = arith.constant 0 : i32
          %dma_wait3A_94 = tpu.memref_slice %arg8[%mul3A_32, %dma_wait3A_93] : memref<40x128xi32, #tpu.memory_space<vmem>> -> memref<1x128xi32, #tpu.memory_space<vmem>>
          %dma_wait3A_95 = tpu.memref_squeeze %dma_wait3A_94 : memref<1x128xi32, #tpu.memory_space<vmem>> -> memref<128xi32, #tpu.memory_space<vmem>>
          %dma_wait3A_96 = arith.constant 0 : i32
          %dma_wait3A_97 = arith.constant 0 : i32
          %dma_wait3A_98 = tpu.memref_slice %arg11[%dma_wait3A_96, %dma_wait3A_97] : memref<10240x128xf32, #tpu.memory_space<vmem_shared>> -> memref<10240x128xf32, #tpu.memory_space<vmem_shared>>
          tpu.wait_indirect_dma semaphore(%run_scoped3A : memref<!tpu.dma_semaphore, #tpu.memory_space<semaphore_mem>>) src(%arg9 : memref<128x128xf32, #tpu.memory_space<vmem>>) dst(%dma_wait3A_98 : memref<10240x128xf32, #tpu.memory_space<vmem_shared>>)
          tpu.yield
        }) : () -> ()
        %add3A_46 = arith.constant 1 : i32
        %add3A_47 = arith.addi %add3A_34, %add3A_46 : i32
        %lt3A = arith.constant 40 : i32
        %lt3A_48 = arith.cmpi slt, %add3A_47, %lt3A : i32
        %convert_element_type3A = arith.extui %lt3A_48 : i1 to i32
        %cond3A = arith.constant 0 : i32
        %cond3A_49 = arith.cmpi ne, %convert_element_type3A, %cond3A : i32
        scf.if %cond3A_49 {
          %add3A_87 = arith.constant 1 : i32
          %add3A_88 = arith.addi %add3A_34, %add3A_87 : i32
          %dma_start3A_89 = arith.constant 0 : i32
          %dma_start3A_90 = tpu.memref_slice %arg7[%add3A_88, %dma_start3A_89] : memref<40x128xi32, #tpu.memory_space<vmem>> -> memref<1x128xi32, #tpu.memory_space<vmem>>
          %dma_start3A_91 = tpu.memref_squeeze %dma_start3A_90 : memref<1x128xi32, #tpu.memory_space<vmem>> -> memref<128xi32, #tpu.memory_space<vmem>>
          %dma_start3A_92 = arith.constant 0 : i32
          %dma_start3A_93 = arith.constant 0 : i32
          %dma_start3A_94 = tpu.memref_slice %arg2[%dma_start3A_92, %dma_start3A_93] : memref<10240x128xf32, #tpu.memory_space<hbm>> -> memref<10240x128xf32, #tpu.memory_space<hbm>>
          tpu.enqueue_indirect_dma source(%dma_start3A_94 : memref<10240x128xf32, #tpu.memory_space<hbm>>) target(%arg9 : memref<128x128xf32, #tpu.memory_space<vmem>>) offsets(%dma_start3A_91 : memref<128xi32, #tpu.memory_space<vmem>>) semaphore(%arg12 : memref<!tpu.dma_semaphore, #tpu.memory_space<semaphore_mem>>)
        } else {
        }
        %dma_wait3A_50 = arith.constant 0 : i32
        %dma_wait3A_51 = tpu.memref_slice %arg7[%add3A_34, %dma_wait3A_50] : memref<40x128xi32, #tpu.memory_space<vmem>> -> memref<1x128xi32, #tpu.memory_space<vmem>>
        %dma_wait3A_52 = tpu.memref_squeeze %dma_wait3A_51 : memref<1x128xi32, #tpu.memory_space<vmem>> -> memref<128xi32, #tpu.memory_space<vmem>>
        %dma_wait3A_53 = arith.constant 0 : i32
        %dma_wait3A_54 = arith.constant 0 : i32
        %dma_wait3A_55 = tpu.memref_slice %arg2[%dma_wait3A_53, %dma_wait3A_54] : memref<10240x128xf32, #tpu.memory_space<hbm>> -> memref<10240x128xf32, #tpu.memory_space<hbm>>
        tpu.wait_indirect_dma semaphore(%arg13 : memref<!tpu.dma_semaphore, #tpu.memory_space<semaphore_mem>>) src(%dma_wait3A_55 : memref<10240x128xf32, #tpu.memory_space<hbm>>) dst(%arg10 : memref<128x128xf32, #tpu.memory_space<vmem>>)
        "tpu.region"() ({
          %run_scoped3A = tpu.sem_alloc : memref<!tpu.dma_semaphore, #tpu.memory_space<semaphore_mem>>
          %dma_start3A_87 = arith.constant 0 : i32
          %dma_start3A_88 = tpu.memref_slice %arg8[%add3A_34, %dma_start3A_87] : memref<40x128xi32, #tpu.memory_space<vmem>> -> memref<1x128xi32, #tpu.memory_space<vmem>>
          %dma_start3A_89 = tpu.memref_squeeze %dma_start3A_88 : memref<1x128xi32, #tpu.memory_space<vmem>> -> memref<128xi32, #tpu.memory_space<vmem>>
          %dma_start3A_90 = arith.constant 0 : i32
          %dma_start3A_91 = arith.constant 0 : i32
          %dma_start3A_92 = tpu.memref_slice %arg11[%dma_start3A_90, %dma_start3A_91] : memref<10240x128xf32, #tpu.memory_space<vmem_shared>> -> memref<10240x128xf32, #tpu.memory_space<vmem_shared>>
          tpu.enqueue_indirect_dma source(%arg10 : memref<128x128xf32, #tpu.memory_space<vmem>>) target(%dma_start3A_92 : memref<10240x128xf32, #tpu.memory_space<vmem_shared>>) offsets(%dma_start3A_89 : memref<128xi32, #tpu.memory_space<vmem>>) semaphore(%run_scoped3A : memref<!tpu.dma_semaphore, #tpu.memory_space<semaphore_mem>>) {add = true}
          %dma_wait3A_93 = arith.constant 0 : i32
          %dma_wait3A_94 = tpu.memref_slice %arg8[%add3A_34, %dma_wait3A_93] : memref<40x128xi32, #tpu.memory_space<vmem>> -> memref<1x128xi32, #tpu.memory_space<vmem>>
          %dma_wait3A_95 = tpu.memref_squeeze %dma_wait3A_94 : memref<1x128xi32, #tpu.memory_space<vmem>> -> memref<128xi32, #tpu.memory_space<vmem>>
          %dma_wait3A_96 = arith.constant 0 : i32
          %dma_wait3A_97 = arith.constant 0 : i32
          %dma_wait3A_98 = tpu.memref_slice %arg11[%dma_wait3A_96, %dma_wait3A_97] : memref<10240x128xf32, #tpu.memory_space<vmem_shared>> -> memref<10240x128xf32, #tpu.memory_space<vmem_shared>>
          tpu.wait_indirect_dma semaphore(%run_scoped3A : memref<!tpu.dma_semaphore, #tpu.memory_space<semaphore_mem>>) src(%arg10 : memref<128x128xf32, #tpu.memory_space<vmem>>) dst(%dma_wait3A_98 : memref<10240x128xf32, #tpu.memory_space<vmem_shared>>)
          tpu.yield
        }) : () -> ()
        %scan3A_56 = arith.constant 1 : i32
        %scan3A_57 = arith.addi %scan3A_30, %scan3A_56 : i32
        %mul3A_58 = arith.constant 2 : i32
        %mul3A_59 = arith.muli %mul3A_58, %scan3A_57 : i32
        %add3A_60 = arith.constant 1 : i32
        %add3A_61 = arith.addi %mul3A_59, %add3A_60 : i32
        %dma_start3A_62 = arith.constant 0 : i32
        %dma_start3A_63 = tpu.memref_slice %arg7[%add3A_61, %dma_start3A_62] : memref<40x128xi32, #tpu.memory_space<vmem>> -> memref<1x128xi32, #tpu.memory_space<vmem>>
        %dma_start3A_64 = tpu.memref_squeeze %dma_start3A_63 : memref<1x128xi32, #tpu.memory_space<vmem>> -> memref<128xi32, #tpu.memory_space<vmem>>
        %dma_start3A_65 = arith.constant 0 : i32
        %dma_start3A_66 = arith.constant 0 : i32
        %dma_start3A_67 = tpu.memref_slice %arg2[%dma_start3A_65, %dma_start3A_66] : memref<10240x128xf32, #tpu.memory_space<hbm>> -> memref<10240x128xf32, #tpu.memory_space<hbm>>
        tpu.enqueue_indirect_dma source(%dma_start3A_67 : memref<10240x128xf32, #tpu.memory_space<hbm>>) target(%arg10 : memref<128x128xf32, #tpu.memory_space<vmem>>) offsets(%dma_start3A_64 : memref<128xi32, #tpu.memory_space<vmem>>) semaphore(%arg13 : memref<!tpu.dma_semaphore, #tpu.memory_space<semaphore_mem>>)
        %dma_wait3A_68 = arith.constant 0 : i32
        %dma_wait3A_69 = tpu.memref_slice %arg7[%mul3A_59, %dma_wait3A_68] : memref<40x128xi32, #tpu.memory_space<vmem>> -> memref<1x128xi32, #tpu.memory_space<vmem>>
        %dma_wait3A_70 = tpu.memref_squeeze %dma_wait3A_69 : memref<1x128xi32, #tpu.memory_space<vmem>> -> memref<128xi32, #tpu.memory_space<vmem>>
        %dma_wait3A_71 = arith.constant 0 : i32
        %dma_wait3A_72 = arith.constant 0 : i32
        %dma_wait3A_73 = tpu.memref_slice %arg2[%dma_wait3A_71, %dma_wait3A_72] : memref<10240x128xf32, #tpu.memory_space<hbm>> -> memref<10240x128xf32, #tpu.memory_space<hbm>>
        tpu.wait_indirect_dma semaphore(%arg12 : memref<!tpu.dma_semaphore, #tpu.memory_space<semaphore_mem>>) src(%dma_wait3A_73 : memref<10240x128xf32, #tpu.memory_space<hbm>>) dst(%arg9 : memref<128x128xf32, #tpu.memory_space<vmem>>)
        "tpu.region"() ({
          %run_scoped3A = tpu.sem_alloc : memref<!tpu.dma_semaphore, #tpu.memory_space<semaphore_mem>>
          %dma_start3A_87 = arith.constant 0 : i32
          %dma_start3A_88 = tpu.memref_slice %arg8[%mul3A_59, %dma_start3A_87] : memref<40x128xi32, #tpu.memory_space<vmem>> -> memref<1x128xi32, #tpu.memory_space<vmem>>
          %dma_start3A_89 = tpu.memref_squeeze %dma_start3A_88 : memref<1x128xi32, #tpu.memory_space<vmem>> -> memref<128xi32, #tpu.memory_space<vmem>>
          %dma_start3A_90 = arith.constant 0 : i32
          %dma_start3A_91 = arith.constant 0 : i32
          %dma_start3A_92 = tpu.memref_slice %arg11[%dma_start3A_90, %dma_start3A_91] : memref<10240x128xf32, #tpu.memory_space<vmem_shared>> -> memref<10240x128xf32, #tpu.memory_space<vmem_shared>>
          tpu.enqueue_indirect_dma source(%arg9 : memref<128x128xf32, #tpu.memory_space<vmem>>) target(%dma_start3A_92 : memref<10240x128xf32, #tpu.memory_space<vmem_shared>>) offsets(%dma_start3A_89 : memref<128xi32, #tpu.memory_space<vmem>>) semaphore(%run_scoped3A : memref<!tpu.dma_semaphore, #tpu.memory_space<semaphore_mem>>) {add = true}
          %dma_wait3A_93 = arith.constant 0 : i32
          %dma_wait3A_94 = tpu.memref_slice %arg8[%mul3A_59, %dma_wait3A_93] : memref<40x128xi32, #tpu.memory_space<vmem>> -> memref<1x128xi32, #tpu.memory_space<vmem>>
          %dma_wait3A_95 = tpu.memref_squeeze %dma_wait3A_94 : memref<1x128xi32, #tpu.memory_space<vmem>> -> memref<128xi32, #tpu.memory_space<vmem>>
          %dma_wait3A_96 = arith.constant 0 : i32
          %dma_wait3A_97 = arith.constant 0 : i32
          %dma_wait3A_98 = tpu.memref_slice %arg11[%dma_wait3A_96, %dma_wait3A_97] : memref<10240x128xf32, #tpu.memory_space<vmem_shared>> -> memref<10240x128xf32, #tpu.memory_space<vmem_shared>>
          tpu.wait_indirect_dma semaphore(%run_scoped3A : memref<!tpu.dma_semaphore, #tpu.memory_space<semaphore_mem>>) src(%arg9 : memref<128x128xf32, #tpu.memory_space<vmem>>) dst(%dma_wait3A_98 : memref<10240x128xf32, #tpu.memory_space<vmem_shared>>)
          tpu.yield
        }) : () -> ()
        %add3A_74 = arith.constant 1 : i32
        %add3A_75 = arith.addi %add3A_61, %add3A_74 : i32
        %lt3A_76 = arith.constant 40 : i32
        %lt3A_77 = arith.cmpi slt, %add3A_75, %lt3A_76 : i32
        %convert_element_type3A_78 = arith.extui %lt3A_77 : i1 to i32
        %cond3A_79 = arith.constant 0 : i32
        %cond3A_80 = arith.cmpi ne, %convert_element_type3A_78, %cond3A_79 : i32
        scf.if %cond3A_80 {
          %add3A_87 = arith.constant 1 : i32
          %add3A_88 = arith.addi %add3A_61, %add3A_87 : i32
          %dma_start3A_89 = arith.constant 0 : i32
          %dma_start3A_90 = tpu.memref_slice %arg7[%add3A_88, %dma_start3A_89] : memref<40x128xi32, #tpu.memory_space<vmem>> -> memref<1x128xi32, #tpu.memory_space<vmem>>
          %dma_start3A_91 = tpu.memref_squeeze %dma_start3A_90 : memref<1x128xi32, #tpu.memory_space<vmem>> -> memref<128xi32, #tpu.memory_space<vmem>>
          %dma_start3A_92 = arith.constant 0 : i32
          %dma_start3A_93 = arith.constant 0 : i32
          %dma_start3A_94 = tpu.memref_slice %arg2[%dma_start3A_92, %dma_start3A_93] : memref<10240x128xf32, #tpu.memory_space<hbm>> -> memref<10240x128xf32, #tpu.memory_space<hbm>>
          tpu.enqueue_indirect_dma source(%dma_start3A_94 : memref<10240x128xf32, #tpu.memory_space<hbm>>) target(%arg9 : memref<128x128xf32, #tpu.memory_space<vmem>>) offsets(%dma_start3A_91 : memref<128xi32, #tpu.memory_space<vmem>>) semaphore(%arg12 : memref<!tpu.dma_semaphore, #tpu.memory_space<semaphore_mem>>)
        } else {
        }
        %dma_wait3A_81 = arith.constant 0 : i32
        %dma_wait3A_82 = tpu.memref_slice %arg7[%add3A_61, %dma_wait3A_81] : memref<40x128xi32, #tpu.memory_space<vmem>> -> memref<1x128xi32, #tpu.memory_space<vmem>>
        %dma_wait3A_83 = tpu.memref_squeeze %dma_wait3A_82 : memref<1x128xi32, #tpu.memory_space<vmem>> -> memref<128xi32, #tpu.memory_space<vmem>>
        %dma_wait3A_84 = arith.constant 0 : i32
        %dma_wait3A_85 = arith.constant 0 : i32
        %dma_wait3A_86 = tpu.memref_slice %arg2[%dma_wait3A_84, %dma_wait3A_85] : memref<10240x128xf32, #tpu.memory_space<hbm>> -> memref<10240x128xf32, #tpu.memory_space<hbm>>
        tpu.wait_indirect_dma semaphore(%arg13 : memref<!tpu.dma_semaphore, #tpu.memory_space<semaphore_mem>>) src(%dma_wait3A_86 : memref<10240x128xf32, #tpu.memory_space<hbm>>) dst(%arg10 : memref<128x128xf32, #tpu.memory_space<vmem>>)
        "tpu.region"() ({
          %run_scoped3A = tpu.sem_alloc : memref<!tpu.dma_semaphore, #tpu.memory_space<semaphore_mem>>
          %dma_start3A_87 = arith.constant 0 : i32
          %dma_start3A_88 = tpu.memref_slice %arg8[%add3A_61, %dma_start3A_87] : memref<40x128xi32, #tpu.memory_space<vmem>> -> memref<1x128xi32, #tpu.memory_space<vmem>>
          %dma_start3A_89 = tpu.memref_squeeze %dma_start3A_88 : memref<1x128xi32, #tpu.memory_space<vmem>> -> memref<128xi32, #tpu.memory_space<vmem>>
          %dma_start3A_90 = arith.constant 0 : i32
          %dma_start3A_91 = arith.constant 0 : i32
          %dma_start3A_92 = tpu.memref_slice %arg11[%dma_start3A_90, %dma_start3A_91] : memref<10240x128xf32, #tpu.memory_space<vmem_shared>> -> memref<10240x128xf32, #tpu.memory_space<vmem_shared>>
          tpu.enqueue_indirect_dma source(%arg10 : memref<128x128xf32, #tpu.memory_space<vmem>>) target(%dma_start3A_92 : memref<10240x128xf32, #tpu.memory_space<vmem_shared>>) offsets(%dma_start3A_89 : memref<128xi32, #tpu.memory_space<vmem>>) semaphore(%run_scoped3A : memref<!tpu.dma_semaphore, #tpu.memory_space<semaphore_mem>>) {add = true}
          %dma_wait3A_93 = arith.constant 0 : i32
          %dma_wait3A_94 = tpu.memref_slice %arg8[%add3A_61, %dma_wait3A_93] : memref<40x128xi32, #tpu.memory_space<vmem>> -> memref<1x128xi32, #tpu.memory_space<vmem>>
          %dma_wait3A_95 = tpu.memref_squeeze %dma_wait3A_94 : memref<1x128xi32, #tpu.memory_space<vmem>> -> memref<128xi32, #tpu.memory_space<vmem>>
          %dma_wait3A_96 = arith.constant 0 : i32
          %dma_wait3A_97 = arith.constant 0 : i32
          %dma_wait3A_98 = tpu.memref_slice %arg11[%dma_wait3A_96, %dma_wait3A_97] : memref<10240x128xf32, #tpu.memory_space<vmem_shared>> -> memref<10240x128xf32, #tpu.memory_space<vmem_shared>>
          tpu.wait_indirect_dma semaphore(%run_scoped3A : memref<!tpu.dma_semaphore, #tpu.memory_space<semaphore_mem>>) src(%arg10 : memref<128x128xf32, #tpu.memory_space<vmem>>) dst(%dma_wait3A_98 : memref<10240x128xf32, #tpu.memory_space<vmem_shared>>)
          tpu.yield
        }) : () -> ()
      }
      %scan3A_29 = arith.constant 20 : i32
    }
    %scan3A_7 = arith.constant 2 : i32
    %barrier3A_8 = arith.constant 0 : index
    tpu.barrier barrier_id(%barrier3A_8)
    %mul3A_9 = arith.constant 640 : i32
    %mul3A_10 = arith.muli %arg1, %mul3A_9 : i32
    %mul3A_11 = arith.constant 640 : i32
    %mul3A_12 = arith.muli %arg1, %mul3A_11 : i32
    "tpu.region"() ({
      %run_scoped3A = tpu.sem_alloc : memref<!tpu.dma_semaphore, #tpu.memory_space<semaphore_mem>>
      %dma_start3A = arith.constant 0 : i32
      %dma_start3A_13 = tpu.memref_slice %arg6[%arg0, %mul3A_12, %dma_start3A] : memref<2x10240x128xf32, #tpu.memory_space<hbm>> -> memref<1x640x128xf32, #tpu.memory_space<hbm>>
      %dma_start3A_14 = tpu.memref_squeeze %dma_start3A_13 : memref<1x640x128xf32, #tpu.memory_space<hbm>> -> memref<640x128xf32, #tpu.memory_space<hbm>>
      %dma_start3A_15 = arith.constant 0 : i32
      %dma_start3A_16 = tpu.memref_slice %arg11[%mul3A_10, %dma_start3A_15] : memref<10240x128xf32, #tpu.memory_space<vmem_shared>> -> memref<640x128xf32, #tpu.memory_space<vmem_shared>>
      tpu.enqueue_dma source(%dma_start3A_16 : memref<640x128xf32, #tpu.memory_space<vmem_shared>>) target(%dma_start3A_14 : memref<640x128xf32, #tpu.memory_space<hbm>>) target_semaphore(%run_scoped3A : memref<!tpu.dma_semaphore, #tpu.memory_space<semaphore_mem>>)
      %dma_wait3A = arith.constant 0 : i32
      %dma_wait3A_17 = tpu.memref_slice %arg6[%arg0, %mul3A_12, %dma_wait3A] : memref<2x10240x128xf32, #tpu.memory_space<hbm>> -> memref<1x640x128xf32, #tpu.memory_space<hbm>>
      %dma_wait3A_18 = tpu.memref_squeeze %dma_wait3A_17 : memref<1x640x128xf32, #tpu.memory_space<hbm>> -> memref<640x128xf32, #tpu.memory_space<hbm>>
      %dma_wait3A_19 = arith.constant 0 : i32
      %dma_wait3A_20 = tpu.memref_slice %arg11[%mul3A_10, %dma_wait3A_19] : memref<10240x128xf32, #tpu.memory_space<vmem_shared>> -> memref<640x128xf32, #tpu.memory_space<vmem_shared>>
      tpu.wait_dma2 semaphore(%run_scoped3A : memref<!tpu.dma_semaphore, #tpu.memory_space<semaphore_mem>>) src(%dma_wait3A_20 : memref<640x128xf32, #tpu.memory_space<vmem_shared>>) dst(%dma_wait3A_18 : memref<640x128xf32, #tpu.memory_space<hbm>>)
      tpu.yield
    }) : () -> ()
    return
  }
}

#map = affine_map<(d0, d1) -> (0, 0)>
#map1 = affine_map<(d0, d1) -> (0, 0, 0)>
module attributes {stable_mosaic.version = 14 : i64} {
  func.func @_agg(%arg0: i32, %arg1: i32, %arg2: memref<10240x128xf32, #tpu.memory_space<hbm>>, %arg3: memref<32x80x128xi32, #tpu.memory_space<hbm>>, %arg4: memref<32x80x128xi32, #tpu.memory_space<hbm>>, %arg5: memref<640x128xf32, #tpu.memory_space<hbm>>, %arg6: memref<2x10240x128xf32, #tpu.memory_space<hbm>>, %arg7: memref<40x128xi32, #tpu.memory_space<vmem>>, %arg8: memref<40x128xi32, #tpu.memory_space<vmem>>, %arg9: memref<128x128xf32, #tpu.memory_space<vmem>>, %arg10: memref<128x128xf32, #tpu.memory_space<vmem>>, %arg11: memref<10240x128xf32, #tpu.memory_space<vmem_shared>>, %arg12: memref<!tpu.dma_semaphore, #tpu.memory_space<semaphore_mem>>, %arg13: memref<!tpu.dma_semaphore, #tpu.memory_space<semaphore_mem>>) attributes {dimension_semantics = [#tpu.dimension_semantics<core_parallel>, #tpu.dimension_semantics<subcore_parallel>], iteration_bounds = array<i64: 2, 16>, scalar_prefetch = 0 : i64, scratch_operands = 7 : i64, tpu.core_type = #tpu.core_type<sc_vector_subcore>, window_params = [{transform_indices = #map}, {transform_indices = #map1}, {transform_indices = #map1}, {transform_indices = #map}, {transform_indices = #map1}]} {
    %mul3A = arith.constant 2 : i32
    %mul3A_0 = arith.muli %arg1, %mul3A : i32
    %add3A = arith.addi %mul3A_0, %arg0 : i32
    %mul3A_1 = arith.constant 640 : i32
    %mul3A_2 = arith.muli %arg1, %mul3A_1 : i32
    "tpu.region"() ({
      %run_scoped3A = tpu.sem_alloc : memref<!tpu.dma_semaphore, #tpu.memory_space<semaphore_mem>>
      %dma_start3A = arith.constant 0 : i32
      %dma_start3A_13 = tpu.memref_slice %arg11[%mul3A_2, %dma_start3A] : memref<10240x128xf32, #tpu.memory_space<vmem_shared>> -> memref<640x128xf32, #tpu.memory_space<vmem_shared>>
      tpu.enqueue_dma source(%arg5 : memref<640x128xf32, #tpu.memory_space<hbm>>) target(%dma_start3A_13 : memref<640x128xf32, #tpu.memory_space<vmem_shared>>) target_semaphore(%run_scoped3A : memref<!tpu.dma_semaphore, #tpu.memory_space<semaphore_mem>>)
      %dma_wait3A = arith.constant 0 : i32
      %dma_wait3A_14 = tpu.memref_slice %arg11[%mul3A_2, %dma_wait3A] : memref<10240x128xf32, #tpu.memory_space<vmem_shared>> -> memref<640x128xf32, #tpu.memory_space<vmem_shared>>
      tpu.wait_dma2 semaphore(%run_scoped3A : memref<!tpu.dma_semaphore, #tpu.memory_space<semaphore_mem>>) src(%arg5 : memref<640x128xf32, #tpu.memory_space<hbm>>) dst(%dma_wait3A_14 : memref<640x128xf32, #tpu.memory_space<vmem_shared>>)
      tpu.yield
    }) : () -> ()
    %barrier3A = arith.constant 0 : index
    tpu.barrier barrier_id(%barrier3A)
    %scan3A = arith.constant 0 : i32
    %scan3A_3 = arith.constant 0 : i32
    %scan3A_4 = arith.constant 2 : i32
    %scan3A_5 = arith.addi %scan3A_3, %scan3A_4 : i32
    %scan3A_6 = arith.constant 1 : i32
    scf.for %scan3A_13 = %scan3A_3 to %scan3A_5 step %scan3A_6  : i32 {
      %mul3A_14 = arith.constant 40 : i32
      %mul3A_15 = arith.muli %scan3A_13, %mul3A_14 : i32
      "tpu.region"() ({
        %run_scoped3A = tpu.sem_alloc : memref<!tpu.dma_semaphore, #tpu.memory_space<semaphore_mem>>
        %dma_start3A_30 = arith.constant 0 : i32
        %dma_start3A_31 = tpu.memref_slice %arg3[%add3A, %mul3A_15, %dma_start3A_30] : memref<32x80x128xi32, #tpu.memory_space<hbm>> -> memref<1x40x128xi32, #tpu.memory_space<hbm>>
        %dma_start3A_32 = tpu.memref_squeeze %dma_start3A_31 : memref<1x40x128xi32, #tpu.memory_space<hbm>> -> memref<40x128xi32, #tpu.memory_space<hbm>>
        %dma_start3A_33 = arith.constant 0 : i32
        %dma_start3A_34 = tpu.memref_slice %arg3[%add3A, %mul3A_15, %dma_start3A_33] : memref<32x80x128xi32, #tpu.memory_space<hbm>> -> memref<1x40x128xi32, #tpu.memory_space<hbm>>
        %dma_start3A_35 = tpu.memref_squeeze %dma_start3A_34 : memref<1x40x128xi32, #tpu.memory_space<hbm>> -> memref<40x128xi32, #tpu.memory_space<hbm>>
        tpu.enqueue_dma source(%dma_start3A_35 : memref<40x128xi32, #tpu.memory_space<hbm>>) target(%arg7 : memref<40x128xi32, #tpu.memory_space<vmem>>) target_semaphore(%run_scoped3A : memref<!tpu.dma_semaphore, #tpu.memory_space<semaphore_mem>>)
        %dma_wait3A = arith.constant 0 : i32
        %dma_wait3A_36 = tpu.memref_slice %arg3[%add3A, %mul3A_15, %dma_wait3A] : memref<32x80x128xi32, #tpu.memory_space<hbm>> -> memref<1x40x128xi32, #tpu.memory_space<hbm>>
        %dma_wait3A_37 = tpu.memref_squeeze %dma_wait3A_36 : memref<1x40x128xi32, #tpu.memory_space<hbm>> -> memref<40x128xi32, #tpu.memory_space<hbm>>
        %dma_wait3A_38 = arith.constant 0 : i32
        %dma_wait3A_39 = tpu.memref_slice %arg3[%add3A, %mul3A_15, %dma_wait3A_38] : memref<32x80x128xi32, #tpu.memory_space<hbm>> -> memref<1x40x128xi32, #tpu.memory_space<hbm>>
        %dma_wait3A_40 = tpu.memref_squeeze %dma_wait3A_39 : memref<1x40x128xi32, #tpu.memory_space<hbm>> -> memref<40x128xi32, #tpu.memory_space<hbm>>
        tpu.wait_dma2 semaphore(%run_scoped3A : memref<!tpu.dma_semaphore, #tpu.memory_space<semaphore_mem>>) src(%dma_wait3A_40 : memref<40x128xi32, #tpu.memory_space<hbm>>) dst(%arg7 : memref<40x128xi32, #tpu.memory_space<vmem>>)
        tpu.yield
      }) : () -> ()
      %mul3A_16 = arith.constant 40 : i32
      %mul3A_17 = arith.muli %scan3A_13, %mul3A_16 : i32
      "tpu.region"() ({
        %run_scoped3A = tpu.sem_alloc : memref<!tpu.dma_semaphore, #tpu.memory_space<semaphore_mem>>
        %dma_start3A_30 = arith.constant 0 : i32
        %dma_start3A_31 = tpu.memref_slice %arg4[%add3A, %mul3A_17, %dma_start3A_30] : memref<32x80x128xi32, #tpu.memory_space<hbm>> -> memref<1x40x128xi32, #tpu.memory_space<hbm>>
        %dma_start3A_32 = tpu.memref_squeeze %dma_start3A_31 : memref<1x40x128xi32, #tpu.memory_space<hbm>> -> memref<40x128xi32, #tpu.memory_space<hbm>>
        %dma_start3A_33 = arith.constant 0 : i32
        %dma_start3A_34 = tpu.memref_slice %arg4[%add3A, %mul3A_17, %dma_start3A_33] : memref<32x80x128xi32, #tpu.memory_space<hbm>> -> memref<1x40x128xi32, #tpu.memory_space<hbm>>
        %dma_start3A_35 = tpu.memref_squeeze %dma_start3A_34 : memref<1x40x128xi32, #tpu.memory_space<hbm>> -> memref<40x128xi32, #tpu.memory_space<hbm>>
        tpu.enqueue_dma source(%dma_start3A_35 : memref<40x128xi32, #tpu.memory_space<hbm>>) target(%arg8 : memref<40x128xi32, #tpu.memory_space<vmem>>) target_semaphore(%run_scoped3A : memref<!tpu.dma_semaphore, #tpu.memory_space<semaphore_mem>>)
        %dma_wait3A = arith.constant 0 : i32
        %dma_wait3A_36 = tpu.memref_slice %arg4[%add3A, %mul3A_17, %dma_wait3A] : memref<32x80x128xi32, #tpu.memory_space<hbm>> -> memref<1x40x128xi32, #tpu.memory_space<hbm>>
        %dma_wait3A_37 = tpu.memref_squeeze %dma_wait3A_36 : memref<1x40x128xi32, #tpu.memory_space<hbm>> -> memref<40x128xi32, #tpu.memory_space<hbm>>
        %dma_wait3A_38 = arith.constant 0 : i32
        %dma_wait3A_39 = tpu.memref_slice %arg4[%add3A, %mul3A_17, %dma_wait3A_38] : memref<32x80x128xi32, #tpu.memory_space<hbm>> -> memref<1x40x128xi32, #tpu.memory_space<hbm>>
        %dma_wait3A_40 = tpu.memref_squeeze %dma_wait3A_39 : memref<1x40x128xi32, #tpu.memory_space<hbm>> -> memref<40x128xi32, #tpu.memory_space<hbm>>
        tpu.wait_dma2 semaphore(%run_scoped3A : memref<!tpu.dma_semaphore, #tpu.memory_space<semaphore_mem>>) src(%dma_wait3A_40 : memref<40x128xi32, #tpu.memory_space<hbm>>) dst(%arg8 : memref<40x128xi32, #tpu.memory_space<vmem>>)
        tpu.yield
      }) : () -> ()
      %dma_start3A = arith.constant 0 : i32
      %dma_start3A_18 = arith.constant 0 : i32
      %dma_start3A_19 = tpu.memref_slice %arg7[%dma_start3A, %dma_start3A_18] : memref<40x128xi32, #tpu.memory_space<vmem>> -> memref<1x128xi32, #tpu.memory_space<vmem>>
      %dma_start3A_20 = tpu.memref_squeeze %dma_start3A_19 : memref<1x128xi32, #tpu.memory_space<vmem>> -> memref<128xi32, #tpu.memory_space<vmem>>
      %dma_start3A_21 = arith.constant 0 : i32
      %dma_start3A_22 = arith.constant 0 : i32
      %dma_start3A_23 = tpu.memref_slice %arg2[%dma_start3A_21, %dma_start3A_22] : memref<10240x128xf32, #tpu.memory_space<hbm>> -> memref<10240x128xf32, #tpu.memory_space<hbm>>
      tpu.enqueue_indirect_dma source(%dma_start3A_23 : memref<10240x128xf32, #tpu.memory_space<hbm>>) target(%arg9 : memref<128x128xf32, #tpu.memory_space<vmem>>) offsets(%dma_start3A_20 : memref<128xi32, #tpu.memory_space<vmem>>) semaphore(%arg12 : memref<!tpu.dma_semaphore, #tpu.memory_space<semaphore_mem>>)
      %scan3A_24 = arith.constant 0 : i32
      %scan3A_25 = arith.constant 0 : i32
      %scan3A_26 = arith.constant 20 : i32
      %scan3A_27 = arith.addi %scan3A_25, %scan3A_26 : i32
      %scan3A_28 = arith.constant 2 : i32
      scf.for %scan3A_30 = %scan3A_25 to %scan3A_27 step %scan3A_28  : i32 {
        %mul3A_31 = arith.constant 2 : i32
        %mul3A_32 = arith.muli %mul3A_31, %scan3A_30 : i32
        %add3A_33 = arith.constant 1 : i32
        %add3A_34 = arith.addi %mul3A_32, %add3A_33 : i32
        %dma_start3A_35 = arith.constant 0 : i32
        %dma_start3A_36 = tpu.memref_slice %arg7[%add3A_34, %dma_start3A_35] : memref<40x128xi32, #tpu.memory_space<vmem>> -> memref<1x128xi32, #tpu.memory_space<vmem>>
        %dma_start3A_37 = tpu.memref_squeeze %dma_start3A_36 : memref<1x128xi32, #tpu.memory_space<vmem>> -> memref<128xi32, #tpu.memory_space<vmem>>
        %dma_start3A_38 = arith.constant 0 : i32
        %dma_start3A_39 = arith.constant 0 : i32
        %dma_start3A_40 = tpu.memref_slice %arg2[%dma_start3A_38, %dma_start3A_39] : memref<10240x128xf32, #tpu.memory_space<hbm>> -> memref<10240x128xf32, #tpu.memory_space<hbm>>
        tpu.enqueue_indirect_dma source(%dma_start3A_40 : memref<10240x128xf32, #tpu.memory_space<hbm>>) target(%arg10 : memref<128x128xf32, #tpu.memory_space<vmem>>) offsets(%dma_start3A_37 : memref<128xi32, #tpu.memory_space<vmem>>) semaphore(%arg13 : memref<!tpu.dma_semaphore, #tpu.memory_space<semaphore_mem>>)
        %dma_wait3A = arith.constant 0 : i32
        %dma_wait3A_41 = tpu.memref_slice %arg7[%mul3A_32, %dma_wait3A] : memref<40x128xi32, #tpu.memory_space<vmem>> -> memref<1x128xi32, #tpu.memory_space<vmem>>
        %dma_wait3A_42 = tpu.memref_squeeze %dma_wait3A_41 : memref<1x128xi32, #tpu.memory_space<vmem>> -> memref<128xi32, #tpu.memory_space<vmem>>
        %dma_wait3A_43 = arith.constant 0 : i32
        %dma_wait3A_44 = arith.constant 0 : i32
        %dma_wait3A_45 = tpu.memref_slice %arg2[%dma_wait3A_43, %dma_wait3A_44] : memref<10240x128xf32, #tpu.memory_space<hbm>> -> memref<10240x128xf32, #tpu.memory_space<hbm>>
        tpu.wait_indirect_dma semaphore(%arg12 : memref<!tpu.dma_semaphore, #tpu.memory_space<semaphore_mem>>) src(%dma_wait3A_45 : memref<10240x128xf32, #tpu.memory_space<hbm>>) dst(%arg9 : memref<128x128xf32, #tpu.memory_space<vmem>>)
        "tpu.region"() ({
          %run_scoped3A = tpu.sem_alloc : memref<!tpu.dma_semaphore, #tpu.memory_space<semaphore_mem>>
          %dma_start3A_87 = arith.constant 0 : i32
          %dma_start3A_88 = tpu.memref_slice %arg8[%mul3A_32, %dma_start3A_87] : memref<40x128xi32, #tpu.memory_space<vmem>> -> memref<1x128xi32, #tpu.memory_space<vmem>>
          %dma_start3A_89 = tpu.memref_squeeze %dma_start3A_88 : memref<1x128xi32, #tpu.memory_space<vmem>> -> memref<128xi32, #tpu.memory_space<vmem>>
          %dma_start3A_90 = arith.constant 0 : i32
          %dma_start3A_91 = arith.constant 0 : i32
          %dma_start3A_92 = tpu.memref_slice %arg11[%dma_start3A_90, %dma_start3A_91] : memref<10240x128xf32, #tpu.memory_space<vmem_shared>> -> memref<10240x128xf32, #tpu.memory_space<vmem_shared>>
          tpu.enqueue_indirect_dma source(%arg9 : memref<128x128xf32, #tpu.memory_space<vmem>>) target(%dma_start3A_92 : memref<10240x128xf32, #tpu.memory_space<vmem_shared>>) offsets(%dma_start3A_89 : memref<128xi32, #tpu.memory_space<vmem>>) semaphore(%run_scoped3A : memref<!tpu.dma_semaphore, #tpu.memory_space<semaphore_mem>>) {add = true}
          %dma_wait3A_93 = arith.constant 0 : i32
          %dma_wait3A_94 = tpu.memref_slice %arg8[%mul3A_32, %dma_wait3A_93] : memref<40x128xi32, #tpu.memory_space<vmem>> -> memref<1x128xi32, #tpu.memory_space<vmem>>
          %dma_wait3A_95 = tpu.memref_squeeze %dma_wait3A_94 : memref<1x128xi32, #tpu.memory_space<vmem>> -> memref<128xi32, #tpu.memory_space<vmem>>
          %dma_wait3A_96 = arith.constant 0 : i32
          %dma_wait3A_97 = arith.constant 0 : i32
          %dma_wait3A_98 = tpu.memref_slice %arg11[%dma_wait3A_96, %dma_wait3A_97] : memref<10240x128xf32, #tpu.memory_space<vmem_shared>> -> memref<10240x128xf32, #tpu.memory_space<vmem_shared>>
          tpu.wait_indirect_dma semaphore(%run_scoped3A : memref<!tpu.dma_semaphore, #tpu.memory_space<semaphore_mem>>) src(%arg9 : memref<128x128xf32, #tpu.memory_space<vmem>>) dst(%dma_wait3A_98 : memref<10240x128xf32, #tpu.memory_space<vmem_shared>>)
          tpu.yield
        }) : () -> ()
        %add3A_46 = arith.constant 1 : i32
        %add3A_47 = arith.addi %add3A_34, %add3A_46 : i32
        %lt3A = arith.constant 40 : i32
        %lt3A_48 = arith.cmpi slt, %add3A_47, %lt3A : i32
        %convert_element_type3A = arith.extui %lt3A_48 : i1 to i32
        %cond3A = arith.constant 0 : i32
        %cond3A_49 = arith.cmpi ne, %convert_element_type3A, %cond3A : i32
        scf.if %cond3A_49 {
          %add3A_87 = arith.constant 1 : i32
          %add3A_88 = arith.addi %add3A_34, %add3A_87 : i32
          %dma_start3A_89 = arith.constant 0 : i32
          %dma_start3A_90 = tpu.memref_slice %arg7[%add3A_88, %dma_start3A_89] : memref<40x128xi32, #tpu.memory_space<vmem>> -> memref<1x128xi32, #tpu.memory_space<vmem>>
          %dma_start3A_91 = tpu.memref_squeeze %dma_start3A_90 : memref<1x128xi32, #tpu.memory_space<vmem>> -> memref<128xi32, #tpu.memory_space<vmem>>
          %dma_start3A_92 = arith.constant 0 : i32
          %dma_start3A_93 = arith.constant 0 : i32
          %dma_start3A_94 = tpu.memref_slice %arg2[%dma_start3A_92, %dma_start3A_93] : memref<10240x128xf32, #tpu.memory_space<hbm>> -> memref<10240x128xf32, #tpu.memory_space<hbm>>
          tpu.enqueue_indirect_dma source(%dma_start3A_94 : memref<10240x128xf32, #tpu.memory_space<hbm>>) target(%arg9 : memref<128x128xf32, #tpu.memory_space<vmem>>) offsets(%dma_start3A_91 : memref<128xi32, #tpu.memory_space<vmem>>) semaphore(%arg12 : memref<!tpu.dma_semaphore, #tpu.memory_space<semaphore_mem>>)
        } else {
        }
        %dma_wait3A_50 = arith.constant 0 : i32
        %dma_wait3A_51 = tpu.memref_slice %arg7[%add3A_34, %dma_wait3A_50] : memref<40x128xi32, #tpu.memory_space<vmem>> -> memref<1x128xi32, #tpu.memory_space<vmem>>
        %dma_wait3A_52 = tpu.memref_squeeze %dma_wait3A_51 : memref<1x128xi32, #tpu.memory_space<vmem>> -> memref<128xi32, #tpu.memory_space<vmem>>
        %dma_wait3A_53 = arith.constant 0 : i32
        %dma_wait3A_54 = arith.constant 0 : i32
        %dma_wait3A_55 = tpu.memref_slice %arg2[%dma_wait3A_53, %dma_wait3A_54] : memref<10240x128xf32, #tpu.memory_space<hbm>> -> memref<10240x128xf32, #tpu.memory_space<hbm>>
        tpu.wait_indirect_dma semaphore(%arg13 : memref<!tpu.dma_semaphore, #tpu.memory_space<semaphore_mem>>) src(%dma_wait3A_55 : memref<10240x128xf32, #tpu.memory_space<hbm>>) dst(%arg10 : memref<128x128xf32, #tpu.memory_space<vmem>>)
        "tpu.region"() ({
          %run_scoped3A = tpu.sem_alloc : memref<!tpu.dma_semaphore, #tpu.memory_space<semaphore_mem>>
          %dma_start3A_87 = arith.constant 0 : i32
          %dma_start3A_88 = tpu.memref_slice %arg8[%add3A_34, %dma_start3A_87] : memref<40x128xi32, #tpu.memory_space<vmem>> -> memref<1x128xi32, #tpu.memory_space<vmem>>
          %dma_start3A_89 = tpu.memref_squeeze %dma_start3A_88 : memref<1x128xi32, #tpu.memory_space<vmem>> -> memref<128xi32, #tpu.memory_space<vmem>>
          %dma_start3A_90 = arith.constant 0 : i32
          %dma_start3A_91 = arith.constant 0 : i32
          %dma_start3A_92 = tpu.memref_slice %arg11[%dma_start3A_90, %dma_start3A_91] : memref<10240x128xf32, #tpu.memory_space<vmem_shared>> -> memref<10240x128xf32, #tpu.memory_space<vmem_shared>>
          tpu.enqueue_indirect_dma source(%arg10 : memref<128x128xf32, #tpu.memory_space<vmem>>) target(%dma_start3A_92 : memref<10240x128xf32, #tpu.memory_space<vmem_shared>>) offsets(%dma_start3A_89 : memref<128xi32, #tpu.memory_space<vmem>>) semaphore(%run_scoped3A : memref<!tpu.dma_semaphore, #tpu.memory_space<semaphore_mem>>) {add = true}
          %dma_wait3A_93 = arith.constant 0 : i32
          %dma_wait3A_94 = tpu.memref_slice %arg8[%add3A_34, %dma_wait3A_93] : memref<40x128xi32, #tpu.memory_space<vmem>> -> memref<1x128xi32, #tpu.memory_space<vmem>>
          %dma_wait3A_95 = tpu.memref_squeeze %dma_wait3A_94 : memref<1x128xi32, #tpu.memory_space<vmem>> -> memref<128xi32, #tpu.memory_space<vmem>>
          %dma_wait3A_96 = arith.constant 0 : i32
          %dma_wait3A_97 = arith.constant 0 : i32
          %dma_wait3A_98 = tpu.memref_slice %arg11[%dma_wait3A_96, %dma_wait3A_97] : memref<10240x128xf32, #tpu.memory_space<vmem_shared>> -> memref<10240x128xf32, #tpu.memory_space<vmem_shared>>
          tpu.wait_indirect_dma semaphore(%run_scoped3A : memref<!tpu.dma_semaphore, #tpu.memory_space<semaphore_mem>>) src(%arg10 : memref<128x128xf32, #tpu.memory_space<vmem>>) dst(%dma_wait3A_98 : memref<10240x128xf32, #tpu.memory_space<vmem_shared>>)
          tpu.yield
        }) : () -> ()
        %scan3A_56 = arith.constant 1 : i32
        %scan3A_57 = arith.addi %scan3A_30, %scan3A_56 : i32
        %mul3A_58 = arith.constant 2 : i32
        %mul3A_59 = arith.muli %mul3A_58, %scan3A_57 : i32
        %add3A_60 = arith.constant 1 : i32
        %add3A_61 = arith.addi %mul3A_59, %add3A_60 : i32
        %dma_start3A_62 = arith.constant 0 : i32
        %dma_start3A_63 = tpu.memref_slice %arg7[%add3A_61, %dma_start3A_62] : memref<40x128xi32, #tpu.memory_space<vmem>> -> memref<1x128xi32, #tpu.memory_space<vmem>>
        %dma_start3A_64 = tpu.memref_squeeze %dma_start3A_63 : memref<1x128xi32, #tpu.memory_space<vmem>> -> memref<128xi32, #tpu.memory_space<vmem>>
        %dma_start3A_65 = arith.constant 0 : i32
        %dma_start3A_66 = arith.constant 0 : i32
        %dma_start3A_67 = tpu.memref_slice %arg2[%dma_start3A_65, %dma_start3A_66] : memref<10240x128xf32, #tpu.memory_space<hbm>> -> memref<10240x128xf32, #tpu.memory_space<hbm>>
        tpu.enqueue_indirect_dma source(%dma_start3A_67 : memref<10240x128xf32, #tpu.memory_space<hbm>>) target(%arg10 : memref<128x128xf32, #tpu.memory_space<vmem>>) offsets(%dma_start3A_64 : memref<128xi32, #tpu.memory_space<vmem>>) semaphore(%arg13 : memref<!tpu.dma_semaphore, #tpu.memory_space<semaphore_mem>>)
        %dma_wait3A_68 = arith.constant 0 : i32
        %dma_wait3A_69 = tpu.memref_slice %arg7[%mul3A_59, %dma_wait3A_68] : memref<40x128xi32, #tpu.memory_space<vmem>> -> memref<1x128xi32, #tpu.memory_space<vmem>>
        %dma_wait3A_70 = tpu.memref_squeeze %dma_wait3A_69 : memref<1x128xi32, #tpu.memory_space<vmem>> -> memref<128xi32, #tpu.memory_space<vmem>>
        %dma_wait3A_71 = arith.constant 0 : i32
        %dma_wait3A_72 = arith.constant 0 : i32
        %dma_wait3A_73 = tpu.memref_slice %arg2[%dma_wait3A_71, %dma_wait3A_72] : memref<10240x128xf32, #tpu.memory_space<hbm>> -> memref<10240x128xf32, #tpu.memory_space<hbm>>
        tpu.wait_indirect_dma semaphore(%arg12 : memref<!tpu.dma_semaphore, #tpu.memory_space<semaphore_mem>>) src(%dma_wait3A_73 : memref<10240x128xf32, #tpu.memory_space<hbm>>) dst(%arg9 : memref<128x128xf32, #tpu.memory_space<vmem>>)
        "tpu.region"() ({
          %run_scoped3A = tpu.sem_alloc : memref<!tpu.dma_semaphore, #tpu.memory_space<semaphore_mem>>
          %dma_start3A_87 = arith.constant 0 : i32
          %dma_start3A_88 = tpu.memref_slice %arg8[%mul3A_59, %dma_start3A_87] : memref<40x128xi32, #tpu.memory_space<vmem>> -> memref<1x128xi32, #tpu.memory_space<vmem>>
          %dma_start3A_89 = tpu.memref_squeeze %dma_start3A_88 : memref<1x128xi32, #tpu.memory_space<vmem>> -> memref<128xi32, #tpu.memory_space<vmem>>
          %dma_start3A_90 = arith.constant 0 : i32
          %dma_start3A_91 = arith.constant 0 : i32
          %dma_start3A_92 = tpu.memref_slice %arg11[%dma_start3A_90, %dma_start3A_91] : memref<10240x128xf32, #tpu.memory_space<vmem_shared>> -> memref<10240x128xf32, #tpu.memory_space<vmem_shared>>
          tpu.enqueue_indirect_dma source(%arg9 : memref<128x128xf32, #tpu.memory_space<vmem>>) target(%dma_start3A_92 : memref<10240x128xf32, #tpu.memory_space<vmem_shared>>) offsets(%dma_start3A_89 : memref<128xi32, #tpu.memory_space<vmem>>) semaphore(%run_scoped3A : memref<!tpu.dma_semaphore, #tpu.memory_space<semaphore_mem>>) {add = true}
          %dma_wait3A_93 = arith.constant 0 : i32
          %dma_wait3A_94 = tpu.memref_slice %arg8[%mul3A_59, %dma_wait3A_93] : memref<40x128xi32, #tpu.memory_space<vmem>> -> memref<1x128xi32, #tpu.memory_space<vmem>>
          %dma_wait3A_95 = tpu.memref_squeeze %dma_wait3A_94 : memref<1x128xi32, #tpu.memory_space<vmem>> -> memref<128xi32, #tpu.memory_space<vmem>>
          %dma_wait3A_96 = arith.constant 0 : i32
          %dma_wait3A_97 = arith.constant 0 : i32
          %dma_wait3A_98 = tpu.memref_slice %arg11[%dma_wait3A_96, %dma_wait3A_97] : memref<10240x128xf32, #tpu.memory_space<vmem_shared>> -> memref<10240x128xf32, #tpu.memory_space<vmem_shared>>
          tpu.wait_indirect_dma semaphore(%run_scoped3A : memref<!tpu.dma_semaphore, #tpu.memory_space<semaphore_mem>>) src(%arg9 : memref<128x128xf32, #tpu.memory_space<vmem>>) dst(%dma_wait3A_98 : memref<10240x128xf32, #tpu.memory_space<vmem_shared>>)
          tpu.yield
        }) : () -> ()
        %add3A_74 = arith.constant 1 : i32
        %add3A_75 = arith.addi %add3A_61, %add3A_74 : i32
        %lt3A_76 = arith.constant 40 : i32
        %lt3A_77 = arith.cmpi slt, %add3A_75, %lt3A_76 : i32
        %convert_element_type3A_78 = arith.extui %lt3A_77 : i1 to i32
        %cond3A_79 = arith.constant 0 : i32
        %cond3A_80 = arith.cmpi ne, %convert_element_type3A_78, %cond3A_79 : i32
        scf.if %cond3A_80 {
          %add3A_87 = arith.constant 1 : i32
          %add3A_88 = arith.addi %add3A_61, %add3A_87 : i32
          %dma_start3A_89 = arith.constant 0 : i32
          %dma_start3A_90 = tpu.memref_slice %arg7[%add3A_88, %dma_start3A_89] : memref<40x128xi32, #tpu.memory_space<vmem>> -> memref<1x128xi32, #tpu.memory_space<vmem>>
          %dma_start3A_91 = tpu.memref_squeeze %dma_start3A_90 : memref<1x128xi32, #tpu.memory_space<vmem>> -> memref<128xi32, #tpu.memory_space<vmem>>
          %dma_start3A_92 = arith.constant 0 : i32
          %dma_start3A_93 = arith.constant 0 : i32
          %dma_start3A_94 = tpu.memref_slice %arg2[%dma_start3A_92, %dma_start3A_93] : memref<10240x128xf32, #tpu.memory_space<hbm>> -> memref<10240x128xf32, #tpu.memory_space<hbm>>
          tpu.enqueue_indirect_dma source(%dma_start3A_94 : memref<10240x128xf32, #tpu.memory_space<hbm>>) target(%arg9 : memref<128x128xf32, #tpu.memory_space<vmem>>) offsets(%dma_start3A_91 : memref<128xi32, #tpu.memory_space<vmem>>) semaphore(%arg12 : memref<!tpu.dma_semaphore, #tpu.memory_space<semaphore_mem>>)
        } else {
        }
        %dma_wait3A_81 = arith.constant 0 : i32
        %dma_wait3A_82 = tpu.memref_slice %arg7[%add3A_61, %dma_wait3A_81] : memref<40x128xi32, #tpu.memory_space<vmem>> -> memref<1x128xi32, #tpu.memory_space<vmem>>
        %dma_wait3A_83 = tpu.memref_squeeze %dma_wait3A_82 : memref<1x128xi32, #tpu.memory_space<vmem>> -> memref<128xi32, #tpu.memory_space<vmem>>
        %dma_wait3A_84 = arith.constant 0 : i32
        %dma_wait3A_85 = arith.constant 0 : i32
        %dma_wait3A_86 = tpu.memref_slice %arg2[%dma_wait3A_84, %dma_wait3A_85] : memref<10240x128xf32, #tpu.memory_space<hbm>> -> memref<10240x128xf32, #tpu.memory_space<hbm>>
        tpu.wait_indirect_dma semaphore(%arg13 : memref<!tpu.dma_semaphore, #tpu.memory_space<semaphore_mem>>) src(%dma_wait3A_86 : memref<10240x128xf32, #tpu.memory_space<hbm>>) dst(%arg10 : memref<128x128xf32, #tpu.memory_space<vmem>>)
        "tpu.region"() ({
          %run_scoped3A = tpu.sem_alloc : memref<!tpu.dma_semaphore, #tpu.memory_space<semaphore_mem>>
          %dma_start3A_87 = arith.constant 0 : i32
          %dma_start3A_88 = tpu.memref_slice %arg8[%add3A_61, %dma_start3A_87] : memref<40x128xi32, #tpu.memory_space<vmem>> -> memref<1x128xi32, #tpu.memory_space<vmem>>
          %dma_start3A_89 = tpu.memref_squeeze %dma_start3A_88 : memref<1x128xi32, #tpu.memory_space<vmem>> -> memref<128xi32, #tpu.memory_space<vmem>>
          %dma_start3A_90 = arith.constant 0 : i32
          %dma_start3A_91 = arith.constant 0 : i32
          %dma_start3A_92 = tpu.memref_slice %arg11[%dma_start3A_90, %dma_start3A_91] : memref<10240x128xf32, #tpu.memory_space<vmem_shared>> -> memref<10240x128xf32, #tpu.memory_space<vmem_shared>>
          tpu.enqueue_indirect_dma source(%arg10 : memref<128x128xf32, #tpu.memory_space<vmem>>) target(%dma_start3A_92 : memref<10240x128xf32, #tpu.memory_space<vmem_shared>>) offsets(%dma_start3A_89 : memref<128xi32, #tpu.memory_space<vmem>>) semaphore(%run_scoped3A : memref<!tpu.dma_semaphore, #tpu.memory_space<semaphore_mem>>) {add = true}
          %dma_wait3A_93 = arith.constant 0 : i32
          %dma_wait3A_94 = tpu.memref_slice %arg8[%add3A_61, %dma_wait3A_93] : memref<40x128xi32, #tpu.memory_space<vmem>> -> memref<1x128xi32, #tpu.memory_space<vmem>>
          %dma_wait3A_95 = tpu.memref_squeeze %dma_wait3A_94 : memref<1x128xi32, #tpu.memory_space<vmem>> -> memref<128xi32, #tpu.memory_space<vmem>>
          %dma_wait3A_96 = arith.constant 0 : i32
          %dma_wait3A_97 = arith.constant 0 : i32
          %dma_wait3A_98 = tpu.memref_slice %arg11[%dma_wait3A_96, %dma_wait3A_97] : memref<10240x128xf32, #tpu.memory_space<vmem_shared>> -> memref<10240x128xf32, #tpu.memory_space<vmem_shared>>
          tpu.wait_indirect_dma semaphore(%run_scoped3A : memref<!tpu.dma_semaphore, #tpu.memory_space<semaphore_mem>>) src(%arg10 : memref<128x128xf32, #tpu.memory_space<vmem>>) dst(%dma_wait3A_98 : memref<10240x128xf32, #tpu.memory_space<vmem_shared>>)
          tpu.yield
        }) : () -> ()
      }
      %scan3A_29 = arith.constant 20 : i32
    }
    %scan3A_7 = arith.constant 2 : i32
    %barrier3A_8 = arith.constant 0 : index
    tpu.barrier barrier_id(%barrier3A_8)
    %mul3A_9 = arith.constant 640 : i32
    %mul3A_10 = arith.muli %arg1, %mul3A_9 : i32
    %mul3A_11 = arith.constant 640 : i32
    %mul3A_12 = arith.muli %arg1, %mul3A_11 : i32
    "tpu.region"() ({
      %run_scoped3A = tpu.sem_alloc : memref<!tpu.dma_semaphore, #tpu.memory_space<semaphore_mem>>
      %dma_start3A = arith.constant 0 : i32
      %dma_start3A_13 = tpu.memref_slice %arg6[%arg0, %mul3A_12, %dma_start3A] : memref<2x10240x128xf32, #tpu.memory_space<hbm>> -> memref<1x640x128xf32, #tpu.memory_space<hbm>>
      %dma_start3A_14 = tpu.memref_squeeze %dma_start3A_13 : memref<1x640x128xf32, #tpu.memory_space<hbm>> -> memref<640x128xf32, #tpu.memory_space<hbm>>
      %dma_start3A_15 = arith.constant 0 : i32
      %dma_start3A_16 = tpu.memref_slice %arg11[%mul3A_10, %dma_start3A_15] : memref<10240x128xf32, #tpu.memory_space<vmem_shared>> -> memref<640x128xf32, #tpu.memory_space<vmem_shared>>
      tpu.enqueue_dma source(%dma_start3A_16 : memref<640x128xf32, #tpu.memory_space<vmem_shared>>) target(%dma_start3A_14 : memref<640x128xf32, #tpu.memory_space<hbm>>) target_semaphore(%run_scoped3A : memref<!tpu.dma_semaphore, #tpu.memory_space<semaphore_mem>>)
      %dma_wait3A = arith.constant 0 : i32
      %dma_wait3A_17 = tpu.memref_slice %arg6[%arg0, %mul3A_12, %dma_wait3A] : memref<2x10240x128xf32, #tpu.memory_space<hbm>> -> memref<1x640x128xf32, #tpu.memory_space<hbm>>
      %dma_wait3A_18 = tpu.memref_squeeze %dma_wait3A_17 : memref<1x640x128xf32, #tpu.memory_space<hbm>> -> memref<640x128xf32, #tpu.memory_space<hbm>>
      %dma_wait3A_19 = arith.constant 0 : i32
      %dma_wait3A_20 = tpu.memref_slice %arg11[%mul3A_10, %dma_wait3A_19] : memref<10240x128xf32, #tpu.memory_space<vmem_shared>> -> memref<640x128xf32, #tpu.memory_space<vmem_shared>>
      tpu.wait_dma2 semaphore(%run_scoped3A : memref<!tpu.dma_semaphore, #tpu.memory_space<semaphore_mem>>) src(%dma_wait3A_20 : memref<640x128xf32, #tpu.memory_space<vmem_shared>>) dst(%dma_wait3A_18 : memref<640x128xf32, #tpu.memory_space<hbm>>)
      tpu.yield
    }) : () -> ()
    return
  }
}

module attributes {stable_mosaic.version = 14 : i64} {
  func.func @_mm1a_body(%arg0: i32, %arg1: memref<5120x128xf32, #tpu.memory_space<vmem>>, %arg2: memref<128x64xf32, #tpu.memory_space<vmem>>, %arg3: memref<5120x64xf32, #tpu.memory_space<vmem>>) attributes {dimension_semantics = [#tpu.dimension_semantics<arbitrary>], iteration_bounds = array<i64: 2>, scalar_prefetch = 0 : i64, scratch_operands = 0 : i64, tpu.core_type = #tpu.core_type<tc>, window_params = [{transform_indices = @transform_0, window_bounds = array<i64: 5120, 128>}, {pipeline_mode = #tpu.pipeline_mode<synchronous>, transform_indices = @transform_1, window_bounds = array<i64: 128, 64>}, {transform_indices = @transform_2, window_bounds = array<i64: 5120, 64>}]} {
    %get3A = arith.constant 0 : index
    %get3A_0 = arith.constant 0 : index
    %get3A_1 = vector.load %arg1[%get3A, %get3A_0] : memref<5120x128xf32, #tpu.memory_space<vmem>>, vector<5120x128xf32>
    %get3A_2 = arith.constant 0 : index
    %get3A_3 = arith.constant 0 : index
    %get3A_4 = vector.load %arg2[%get3A_2, %get3A_3] : memref<128x64xf32, #tpu.memory_space<vmem>>, vector<128x64xf32>
    %dot_general3A = arith.constant dense<0.000000e+00> : vector<5120x64xf32>
    %dot_general3A_5 = tpu.matmul %get3A_1, %get3A_4, %dot_general3A {dimension_numbers = #tpu.dot_dimension_numbers<[1], [0], [0], [1], [0, 0, 1, 1], [], []>, transpose_lhs_hint = false} : vector<5120x128xf32>, vector<128x64xf32>, vector<5120x64xf32> -> vector<5120x64xf32>
    %swap3A = arith.constant 0 : index
    %swap3A_6 = arith.constant 0 : index
    %swap3A_7 = vector.load %arg3[%swap3A, %swap3A_6] : memref<5120x64xf32, #tpu.memory_space<vmem>>, vector<5120x64xf32>
    tpu.vector_store %arg3[%swap3A, %swap3A_6], %dot_general3A_5 {strides = array<i32>} : memref<5120x64xf32, #tpu.memory_space<vmem>>, vector<5120x64xf32>,
    return
  }
  func.func @transform_0(%arg0: i32) -> (i32, i32) {
    %c0_i32 = arith.constant 0 : i32
    %c0_i32_0 = arith.constant 0 : i32
    return %arg0, %c0_i32 : i32, i32
  }
  func.func @transform_1(%arg0: i32) -> (i32, i32) {
    %c0_i32 = arith.constant 0 : i32
    %c0_i32_0 = arith.constant 0 : i32
    %c0_i32_1 = arith.constant 0 : i32
    return %c0_i32, %c0_i32_0 : i32, i32
  }
  func.func @transform_2(%arg0: i32) -> (i32, i32) {
    %c0_i32 = arith.constant 0 : i32
    %c0_i32_0 = arith.constant 0 : i32
    return %arg0, %c0_i32 : i32, i32
  }
}

module attributes {stable_mosaic.version = 14 : i64} {
  func.func @_mm1b_body(%arg0: i32, %arg1: memref<5120x64xf32, #tpu.memory_space<vmem>>, %arg2: memref<2x5120x1xf32, #tpu.memory_space<vmem>>, %arg3: memref<5120x128xf32, #tpu.memory_space<vmem>>, %arg4: memref<5120x1xf32, #tpu.memory_space<vmem>>) attributes {dimension_semantics = [#tpu.dimension_semantics<arbitrary>], iteration_bounds = array<i64: 2>, scalar_prefetch = 0 : i64, scratch_operands = 0 : i64, tpu.core_type = #tpu.core_type<tc>, window_params = [{transform_indices = @transform_0, window_bounds = array<i64: 5120, 64>}, {transform_indices = @transform_1, window_bounds = array<i64: 2, 5120, 1>}, {transform_indices = @transform_2, window_bounds = array<i64: 5120, 128>}, {transform_indices = @transform_3, window_bounds = array<i64: 5120, 1>}]} {
    %get3A = arith.constant 0 : index
    %get3A_0 = arith.constant 0 : index
    %get3A_1 = arith.constant 0 : index
    %get3A_2 = vector.load %arg2[%get3A, %get3A_0, %get3A_1] : memref<2x5120x1xf32, #tpu.memory_space<vmem>>, vector<1x5120x1xf32>
    %get3A_3 = vector.shape_cast %get3A_2 : vector<1x5120x1xf32> to vector<5120x1xf32>
    %get3A_4 = arith.constant 1 : index
    %get3A_5 = arith.constant 0 : index
    %get3A_6 = arith.constant 0 : index
    %get3A_7 = vector.load %arg2[%get3A_4, %get3A_5, %get3A_6] : memref<2x5120x1xf32, #tpu.memory_space<vmem>>, vector<1x5120x1xf32>
    %get3A_8 = vector.shape_cast %get3A_7 : vector<1x5120x1xf32> to vector<5120x1xf32>
    %add3A = arith.addf %get3A_3, %get3A_8 : vector<5120x1xf32>
    %add3A_9 = arith.constant 1.000000e+00 : f32
    %add3A_10 = vector.broadcast %add3A_9 : f32 to vector<5120x1xf32>
    %add3A_11 = arith.addf %add3A, %add3A_10 : vector<5120x1xf32>
    %rsqrt3A = math.rsqrt %add3A_11 : vector<5120x1xf32>
    %get3A_12 = arith.constant 0 : index
    %get3A_13 = arith.constant 0 : index
    %get3A_14 = vector.load %arg1[%get3A_12, %get3A_13] : memref<5120x64xf32, #tpu.memory_space<vmem>>, vector<5120x64xf32>
    %mul3A = vector.broadcast %rsqrt3A : vector<5120x1xf32> to vector<5120x64xf32>
    %mul3A_15 = arith.mulf %get3A_14, %mul3A : vector<5120x64xf32>
    %broadcast_in_dim3A = arith.constant 0.000000e+00 : f32
    %broadcast_in_dim3A_16 = vector.broadcast %broadcast_in_dim3A : f32 to vector<5120x64xf32>
    %concatenate3A = tpu.concatenate %mul3A_15, %broadcast_in_dim3A_16 in 1 : vector<5120x64xf32>, vector<5120x64xf32> -> vector<5120x128xf32>
    %swap3A = arith.constant 0 : index
    %swap3A_17 = arith.constant 0 : index
    %swap3A_18 = vector.load %arg3[%swap3A, %swap3A_17] : memref<5120x128xf32, #tpu.memory_space<vmem>>, vector<5120x128xf32>
    tpu.vector_store %arg3[%swap3A, %swap3A_17], %concatenate3A {strides = array<i32>} : memref<5120x128xf32, #tpu.memory_space<vmem>>, vector<5120x128xf32>,
    %swap3A_19 = arith.constant 0 : index
    %swap3A_20 = arith.constant 0 : index
    %swap3A_21 = vector.load %arg4[%swap3A_19, %swap3A_20] : memref<5120x1xf32, #tpu.memory_space<vmem>>, vector<5120x1xf32>
    tpu.vector_store %arg4[%swap3A_19, %swap3A_20], %rsqrt3A {strides = array<i32>} : memref<5120x1xf32, #tpu.memory_space<vmem>>, vector<5120x1xf32>,
    return
  }
  func.func @transform_0(%arg0: i32) -> (i32, i32) {
    %c0_i32 = arith.constant 0 : i32
    %c0_i32_0 = arith.constant 0 : i32
    return %arg0, %c0_i32 : i32, i32
  }
  func.func @transform_1(%arg0: i32) -> (i32, i32, i32) {
    %c0_i32 = arith.constant 0 : i32
    %c0_i32_0 = arith.constant 0 : i32
    %c0_i32_1 = arith.constant 0 : i32
    return %c0_i32, %arg0, %c0_i32_0 : i32, i32, i32
  }
  func.func @transform_2(%arg0: i32) -> (i32, i32) {
    %c0_i32 = arith.constant 0 : i32
    %c0_i32_0 = arith.constant 0 : i32
    return %arg0, %c0_i32 : i32, i32
  }
  func.func @transform_3(%arg0: i32) -> (i32, i32) {
    %c0_i32 = arith.constant 0 : i32
    %c0_i32_0 = arith.constant 0 : i32
    return %arg0, %c0_i32 : i32, i32
  }
}

module attributes {stable_mosaic.version = 14 : i64} {
  func.func @_mm2_body(%arg0: i32, %arg1: memref<2x5120x128xf32, #tpu.memory_space<vmem>>, %arg2: memref<5120x128xf32, #tpu.memory_space<vmem>>, %arg3: memref<5120x1xf32, #tpu.memory_space<vmem>>, %arg4: memref<1x64xf32, #tpu.memory_space<vmem>>, %arg5: memref<64x128xf32, #tpu.memory_space<vmem>>, %arg6: memref<5120x128xf32, #tpu.memory_space<vmem>>) attributes {dimension_semantics = [#tpu.dimension_semantics<arbitrary>], iteration_bounds = array<i64: 2>, scalar_prefetch = 0 : i64, scratch_operands = 0 : i64, tpu.core_type = #tpu.core_type<tc>, window_params = [{transform_indices = @transform_0, window_bounds = array<i64: 2, 5120, 128>}, {transform_indices = @transform_1, window_bounds = array<i64: 5120, 128>}, {transform_indices = @transform_2, window_bounds = array<i64: 5120, 1>}, {pipeline_mode = #tpu.pipeline_mode<synchronous>, transform_indices = @transform_3, window_bounds = array<i64: 1, 64>}, {pipeline_mode = #tpu.pipeline_mode<synchronous>, transform_indices = @transform_4, window_bounds = array<i64: 64, 128>}, {transform_indices = @transform_5, window_bounds = array<i64: 5120, 128>}]} {
    %get3A = arith.constant 0 : index
    %get3A_0 = arith.constant 0 : index
    %get3A_1 = arith.constant 0 : index
    %get3A_2 = vector.load %arg1[%get3A, %get3A_0, %get3A_1] : memref<2x5120x128xf32, #tpu.memory_space<vmem>>, vector<1x5120x64xf32>
    %get3A_3 = vector.shape_cast %get3A_2 : vector<1x5120x64xf32> to vector<5120x64xf32>
    %get3A_4 = arith.constant 1 : index
    %get3A_5 = arith.constant 0 : index
    %get3A_6 = arith.constant 0 : index
    %get3A_7 = vector.load %arg1[%get3A_4, %get3A_5, %get3A_6] : memref<2x5120x128xf32, #tpu.memory_space<vmem>>, vector<1x5120x64xf32>
    %get3A_8 = vector.shape_cast %get3A_7 : vector<1x5120x64xf32> to vector<5120x64xf32>
    %add3A = arith.addf %get3A_3, %get3A_8 : vector<5120x64xf32>
    %get3A_9 = arith.constant 0 : index
    %get3A_10 = arith.constant 0 : index
    %get3A_11 = vector.load %arg2[%get3A_9, %get3A_10] : memref<5120x128xf32, #tpu.memory_space<vmem>>, vector<5120x64xf32>
    %add3A_12 = arith.addf %add3A, %get3A_11 : vector<5120x64xf32>
    %get3A_13 = arith.constant 0 : index
    %get3A_14 = arith.constant 0 : index
    %get3A_15 = vector.load %arg3[%get3A_13, %get3A_14] : memref<5120x1xf32, #tpu.memory_space<vmem>>, vector<5120x1xf32>
    %mul3A = vector.broadcast %get3A_15 : vector<5120x1xf32> to vector<5120x64xf32>
    %mul3A_16 = arith.mulf %add3A_12, %mul3A : vector<5120x64xf32>
    %get3A_17 = arith.constant 0 : index
    %get3A_18 = arith.constant 0 : index
    %get3A_19 = vector.load %arg4[%get3A_17, %get3A_18] : memref<1x64xf32, #tpu.memory_space<vmem>>, vector<1x64xf32>
    %add3A_20 = vector.broadcast %get3A_19 : vector<1x64xf32> to vector<5120x64xf32>
    %add3A_21 = arith.addf %mul3A_16, %add3A_20 : vector<5120x64xf32>
    %max3A = arith.constant 0.000000e+00 : f32
    %max3A_22 = vector.broadcast %max3A : f32 to vector<5120x64xf32>
    %max3A_23 = arith.maximumf %add3A_21, %max3A_22 : vector<5120x64xf32>
    %get3A_24 = arith.constant 0 : index
    %get3A_25 = arith.constant 0 : index
    %get3A_26 = vector.load %arg5[%get3A_24, %get3A_25] : memref<64x128xf32, #tpu.memory_space<vmem>>, vector<64x128xf32>
    %dot_general3A = arith.constant dense<0.000000e+00> : vector<5120x128xf32>
    %dot_general3A_27 = tpu.matmul %max3A_23, %get3A_26, %dot_general3A {dimension_numbers = #tpu.dot_dimension_numbers<[1], [0], [0], [1], [0, 0, 1, 1], [], []>, transpose_lhs_hint = false} : vector<5120x64xf32>, vector<64x128xf32>, vector<5120x128xf32> -> vector<5120x128xf32>
    %get3A_28 = arith.constant 0 : index
    %get3A_29 = arith.constant 0 : index
    %get3A_30 = vector.load %arg3[%get3A_28, %get3A_29] : memref<5120x1xf32, #tpu.memory_space<vmem>>, vector<5120x1xf32>
    %mul3A_31 = vector.broadcast %get3A_30 : vector<5120x1xf32> to vector<5120x128xf32>
    %mul3A_32 = arith.mulf %dot_general3A_27, %mul3A_31 : vector<5120x128xf32>
    %swap3A = arith.constant 0 : index
    %swap3A_33 = arith.constant 0 : index
    %swap3A_34 = vector.load %arg6[%swap3A, %swap3A_33] : memref<5120x128xf32, #tpu.memory_space<vmem>>, vector<5120x128xf32>
    tpu.vector_store %arg6[%swap3A, %swap3A_33], %mul3A_32 {strides = array<i32>} : memref<5120x128xf32, #tpu.memory_space<vmem>>, vector<5120x128xf32>,
    return
  }
  func.func @transform_0(%arg0: i32) -> (i32, i32, i32) {
    %c0_i32 = arith.constant 0 : i32
    %c0_i32_0 = arith.constant 0 : i32
    %c0_i32_1 = arith.constant 0 : i32
    return %c0_i32, %arg0, %c0_i32_0 : i32, i32, i32
  }
  func.func @transform_1(%arg0: i32) -> (i32, i32) {
    %c0_i32 = arith.constant 0 : i32
    %c0_i32_0 = arith.constant 0 : i32
    return %arg0, %c0_i32 : i32, i32
  }
  func.func @transform_2(%arg0: i32) -> (i32, i32) {
    %c0_i32 = arith.constant 0 : i32
    %c0_i32_0 = arith.constant 0 : i32
    return %arg0, %c0_i32 : i32, i32
  }
  func.func @transform_3(%arg0: i32) -> (i32, i32) {
    %c0_i32 = arith.constant 0 : i32
    %c0_i32_0 = arith.constant 0 : i32
    %c0_i32_1 = arith.constant 0 : i32
    return %c0_i32, %c0_i32_0 : i32, i32
  }
  func.func @transform_4(%arg0: i32) -> (i32, i32) {
    %c0_i32 = arith.constant 0 : i32
    %c0_i32_0 = arith.constant 0 : i32
    %c0_i32_1 = arith.constant 0 : i32
    return %c0_i32, %c0_i32_0 : i32, i32
  }
  func.func @transform_5(%arg0: i32) -> (i32, i32) {
    %c0_i32 = arith.constant 0 : i32
    %c0_i32_0 = arith.constant 0 : i32
    return %arg0, %c0_i32 : i32, i32
  }
}

module attributes {stable_mosaic.version = 14 : i64} {
  func.func @_fin_body(%arg0: i32, %arg1: memref<2x5120x128xf32, #tpu.memory_space<vmem>>, %arg2: memref<5120x128xf32, #tpu.memory_space<vmem>>, %arg3: memref<5120x1xf32, #tpu.memory_space<vmem>>, %arg4: memref<1x128xf32, #tpu.memory_space<vmem>>, %arg5: memref<5120x128xf32, #tpu.memory_space<vmem>>) attributes {dimension_semantics = [#tpu.dimension_semantics<arbitrary>], iteration_bounds = array<i64: 2>, scalar_prefetch = 0 : i64, scratch_operands = 0 : i64, tpu.core_type = #tpu.core_type<tc>, window_params = [{transform_indices = @transform_0, window_bounds = array<i64: 2, 5120, 128>}, {transform_indices = @transform_1, window_bounds = array<i64: 5120, 128>}, {transform_indices = @transform_2, window_bounds = array<i64: 5120, 1>}, {pipeline_mode = #tpu.pipeline_mode<synchronous>, transform_indices = @transform_3, window_bounds = array<i64: 1, 128>}, {transform_indices = @transform_4, window_bounds = array<i64: 5120, 128>}]} {
    %get3A = arith.constant 0 : index
    %get3A_0 = arith.constant 0 : index
    %get3A_1 = arith.constant 0 : index
    %get3A_2 = vector.load %arg1[%get3A, %get3A_0, %get3A_1] : memref<2x5120x128xf32, #tpu.memory_space<vmem>>, vector<1x5120x128xf32>
    %get3A_3 = vector.shape_cast %get3A_2 : vector<1x5120x128xf32> to vector<5120x128xf32>
    %get3A_4 = arith.constant 1 : index
    %get3A_5 = arith.constant 0 : index
    %get3A_6 = arith.constant 0 : index
    %get3A_7 = vector.load %arg1[%get3A_4, %get3A_5, %get3A_6] : memref<2x5120x128xf32, #tpu.memory_space<vmem>>, vector<1x5120x128xf32>
    %get3A_8 = vector.shape_cast %get3A_7 : vector<1x5120x128xf32> to vector<5120x128xf32>
    %add3A = arith.addf %get3A_3, %get3A_8 : vector<5120x128xf32>
    %get3A_9 = arith.constant 0 : index
    %get3A_10 = arith.constant 0 : index
    %get3A_11 = vector.load %arg2[%get3A_9, %get3A_10] : memref<5120x128xf32, #tpu.memory_space<vmem>>, vector<5120x128xf32>
    %add3A_12 = arith.addf %add3A, %get3A_11 : vector<5120x128xf32>
    %get3A_13 = arith.constant 0 : index
    %get3A_14 = arith.constant 0 : index
    %get3A_15 = vector.load %arg3[%get3A_13, %get3A_14] : memref<5120x1xf32, #tpu.memory_space<vmem>>, vector<5120x1xf32>
    %mul3A = vector.broadcast %get3A_15 : vector<5120x1xf32> to vector<5120x128xf32>
    %mul3A_16 = arith.mulf %add3A_12, %mul3A : vector<5120x128xf32>
    %get3A_17 = arith.constant 0 : index
    %get3A_18 = arith.constant 0 : index
    %get3A_19 = vector.load %arg4[%get3A_17, %get3A_18] : memref<1x128xf32, #tpu.memory_space<vmem>>, vector<1x128xf32>
    %add3A_20 = vector.broadcast %get3A_19 : vector<1x128xf32> to vector<5120x128xf32>
    %add3A_21 = arith.addf %mul3A_16, %add3A_20 : vector<5120x128xf32>
    %max3A = arith.constant 0.000000e+00 : f32
    %max3A_22 = vector.broadcast %max3A : f32 to vector<5120x128xf32>
    %max3A_23 = arith.maximumf %add3A_21, %max3A_22 : vector<5120x128xf32>
    %swap3A = arith.constant 0 : index
    %swap3A_24 = arith.constant 0 : index
    %swap3A_25 = vector.load %arg5[%swap3A, %swap3A_24] : memref<5120x128xf32, #tpu.memory_space<vmem>>, vector<5120x128xf32>
    tpu.vector_store %arg5[%swap3A, %swap3A_24], %max3A_23 {strides = array<i32>} : memref<5120x128xf32, #tpu.memory_space<vmem>>, vector<5120x128xf32>,
    return
  }
  func.func @transform_0(%arg0: i32) -> (i32, i32, i32) {
    %c0_i32 = arith.constant 0 : i32
    %c0_i32_0 = arith.constant 0 : i32
    %c0_i32_1 = arith.constant 0 : i32
    return %c0_i32, %arg0, %c0_i32_0 : i32, i32, i32
  }
  func.func @transform_1(%arg0: i32) -> (i32, i32) {
    %c0_i32 = arith.constant 0 : i32
    %c0_i32_0 = arith.constant 0 : i32
    return %arg0, %c0_i32 : i32, i32
  }
  func.func @transform_2(%arg0: i32) -> (i32, i32) {
    %c0_i32 = arith.constant 0 : i32
    %c0_i32_0 = arith.constant 0 : i32
    return %arg0, %c0_i32 : i32, i32
  }
  func.func @transform_3(%arg0: i32) -> (i32, i32) {
    %c0_i32 = arith.constant 0 : i32
    %c0_i32_0 = arith.constant 0 : i32
    %c0_i32_1 = arith.constant 0 : i32
    return %c0_i32, %c0_i32_0 : i32, i32
  }
  func.func @transform_4(%arg0: i32) -> (i32, i32) {
    %c0_i32 = arith.constant 0 : i32
    %c0_i32_0 = arith.constant 0 : i32
    return %arg0, %c0_i32 : i32, i32
  }
}

</mosaic_0001>

<sc_bundles>
// kernel: kernel.12.cloned.1.call-start
scs
__scs_entry_jumppad:
0x0: {  	(pc) =	sbr.rel $0x88, $3  }
0x1: {  	(tag) =	ssettag $0x0;
	lr =	simm.s32 $0x1  }
0x2: {  	[smem:$0x3F9B] =	sst lr;
	_ =	strace $0xD0000000  }
0x3: {  	_ = 	snop  }
0x4: {  	_ = 	snop  }
0x5: {  	_ = 	snop  }
0x6: {  	_ = 	snop  }
0x7: {  	_ = 	snop  }
__scs_overlays_trampoline_lowered:
0x8: {  	[smem:$0x3FAA] =	sst s0  }
0x9: {  	[smem:$0x3FAB] =	sst s1  }
0xa: {  	[smem:$0x3FAC] =	sst s2  }
0xb: {  	[smem:$0x3FAD] =	sst s3  }
0xc: {  	[smem:$0x3FAE] =	sst s4  }
0xd: {  	[smem:$0x3FAF] =	sst s5  }
0xe: {  	[smem:$0x3FB0] =	sst s6  }
0xf: {  	[smem:$0x3FB1] =	sst s7  }
0x10: {  	[smem:$0x3FB2] =	sst s8  }
0x11: {  	[smem:$0x3FB3] =	sst s9;
	s0 =	simm.s32 @!p0 $0x0  }
0x12: {  	s1 =	sld [smem:$0x3F99];
	s0 =	simm.s32 @p0 $0x1  }
0x13: {  	[smem:$0x3FB4] =	sst s0;
	s0 =	simm.s32 @!p1 $0x0  }
0x14: {  	s2 =	sld [smem:$0x3F98];
	s0 =	simm.s32 @p1 $0x1  }
0x15: {  	[smem:$0x3FB5] =	sst s0;
	s0 =	simm.s32 @!p2 $0x0  }
0x16: {  	s3 =	sld [smem:$0x3FDB];
	s0 =	simm.s32 @p2 $0x1  }
0x17: {  	s4 =	simm.s32 $0x1BF5;
	[smem:$0x3FB7] =	sst s0  }
0x18: {  	s0 =	sld [smem:$0x3F9A];
	_ =	swait.ge [sflag:s4], $0x0  }
0x19: {  	s7 =	sld [smem:$0x3F9B]  }
0x1a: {  	s8 =	sadd.s32 $0xFFFFE003, lr  }
0x1b: {  	s9 =	sadd.s32 $0xFFFFFEF7, lr;
	s5 =	simm.s32 $0xFFFFFFFF;
	p2 =	slt.u32 s8, $0xFFFFF086  }
0x1c: {  	p1 =	slt.u32 s9, $0xF7A;
	s5 =	simm.s32 @!p2 $0x0  }
0x1d: {  	s5 =	simm.s32 @p1 $0x1;
	p0 =	seq.s32 s7, s2  }
0x1e: {  	s7 =	smul.u32 @!p0 $0xF7A, s2;
	p2 =	seq.s32 @!p0 s5, $0x0  }
0x1f: {  	s9 =	smul.u32 $0xF7A, s1;
	s8 =	simm.s32 @!p0 $0x1BF5;
	p2 =	por !p2, p0  }
0x20: {  	[sflag:s8] =	ssyncset.s32 @!p0 $0xFFFFF086;
	s6 =	sadd.s32 @!p0 s3, s7;
	s7 =	simm.s32 @!p0 $0x108  }
0x21: {  	s3 =	sadd.s32 s3, s9;
	s6 =	sadd.s32 @!p0 $0x88, s6;
	s7 =	simm.s32 @p2 $0x1082  }
0x22: {  	[simem:s7], [sflag:s8] =	dma.local @!p0 [hbm:s6], $0xF7A  }
0x23: {  	s9 =	sor.u32 $0xD0000000, s2;
	s6 =	simm.s32 $0x108;
	_ =	swait.ge @!p0 [sflag:s8], $0x0  }
0x24: {  	s3 =	sadd.s32 $0x88, s3;
	s6 =	simm.s32 @!p1 $0x1082;
	[sflag:s4] =	ssyncset.s32 $0xFFFFF086  }
0x25: {  	[simem:s6], [sflag:s4] =	dma.local [hbm:s3], $0xF7A  }
0x26: {  	[smem:$0x3F9B] =	sst s1;
	(tag) =	ssettag s2;
	_ =	strace s9  }
0x27: {  	s1 =	sld [smem:$0x3FAB]  }
0x28: {  	s2 =	sld [smem:$0x3FAC]  }
0x29: {  	s4 =	sld [smem:$0x3FAE]  }
0x2a: {  	p0 =	seq.s32 s5, $0x0;
	s5 =	sld [smem:$0x3FAF]  }
0x2b: {  	s6 =	sld [smem:$0x3FB0]  }
0x2c: {  	s7 =	sld [smem:$0x3FB1]  }
0x2d: {  	s3 =	simm.s32 $0x108;
	s8 =	sld [smem:$0x3FB2]  }
0x2e: {  	s3 =	simm.s32 @!p0 $0x1082;
	s9 =	sld [smem:$0x3FB3]  }
0x2f: {  	lr =	sadd.s32 s0, s3;
	s0 =	sld [smem:$0x3FAA]  }
0x30: {  	s3 =	sld [smem:$0x3FAD]  }
0x31: {  	[smem:$0x3FB6] =	sst s10  }
0x32: {  	s10 =	sld [smem:$0x3FB4];
	_ =	sdelay $0x3  }
0x33: {  	p0 =	seq.s32 s10, $0x1;
	s10 =	sld [smem:$0x3FB6];
	_ =	sdelay $0x3  }
0x34: {  	[smem:$0x3FB6] =	sst s10  }
0x35: {  	s10 =	sld [smem:$0x3FB5];
	_ =	sdelay $0x3  }
0x36: {  	p1 =	seq.s32 s10, $0x1;
	s10 =	sld [smem:$0x3FB6];
	_ =	sdelay $0x3  }
0x37: {  	[smem:$0x3FB6] =	sst s10  }
0x38: {  	s10 =	sld [smem:$0x3FB7]  }
0x39: {  	_ = 	snop;
	(pc) =	sbr.ind lr, $3  }
0x3a: {  	_ = 	snop  }
0x3b: {  	_ = 	snop  }
0x3c: {  	p2 =	seq.s32 s10, $0x1;
	s10 =	sld [smem:$0x3FB6]  }
0x3d: {  	_ =	shalt  }
0x3e: {  	_ =	shalt  }
0x3f: {  	_ =	shalt  }
0x40: {  	_ =	shalt  }
0x41: {  	_ =	shalt  }
0x42: {  	_ =	shalt  }
0x43: {  	_ =	shalt  }
0x44: {  	_ =	shalt  }
0x45: {  	_ =	shalt  }
0x46: {  	_ =	shalt  }
0x47: {  	_ =	shalt  }
0x48: {  	_ =	shalt  }
0x49: {  	_ =	shalt  }
0x4a: {  	_ =	shalt  }
0x4b: {  	_ =	shalt  }
0x4c: {  	_ =	shalt  }
0x4d: {  	_ =	shalt  }
0x4e: {  	_ =	shalt  }
0x4f: {  	_ =	shalt  }
0x50: {  	_ =	shalt  }
0x51: {  	_ =	shalt  }
0x52: {  	_ =	shalt  }
0x53: {  	_ =	shalt  }
0x54: {  	_ =	shalt  }
0x55: {  	_ =	shalt  }
0x56: {  	_ =	shalt  }
0x57: {  	_ =	shalt  }
0x58: {  	_ =	shalt  }
0x59: {  	_ =	shalt  }
0x5a: {  	_ =	shalt  }
0x5b: {  	_ =	shalt  }
0x5c: {  	_ =	shalt  }
0x5d: {  	_ =	shalt  }
0x5e: {  	_ =	shalt  }
0x5f: {  	_ =	shalt  }
0x60: {  	_ =	shalt  }
0x61: {  	_ =	shalt  }
0x62: {  	_ =	shalt  }
0x63: {  	_ =	shalt  }
0x64: {  	_ =	shalt  }
0x65: {  	_ =	shalt  }
0x66: {  	_ =	shalt  }
0x67: {  	_ =	shalt  }
0x68: {  	_ =	shalt  }
0x69: {  	_ =	shalt  }
0x6a: {  	_ =	shalt  }
0x6b: {  	_ =	shalt  }
0x6c: {  	_ =	shalt  }
0x6d: {  	_ =	shalt  }
0x6e: {  	_ =	shalt  }
0x6f: {  	_ =	shalt  }
0x70: {  	_ =	shalt  }
0x71: {  	_ =	shalt  }
0x72: {  	_ =	shalt  }
0x73: {  	_ =	shalt  }
0x74: {  	_ =	shalt  }
0x75: {  	_ =	shalt  }
0x76: {  	_ =	shalt  }
0x77: {  	_ =	shalt  }
0x78: {  	_ =	shalt  }
0x79: {  	_ =	shalt  }
0x7a: {  	_ =	shalt  }
0x7b: {  	_ =	shalt  }
0x7c: {  	_ =	shalt  }
0x7d: {  	_ =	shalt  }
0x7e: {  	_ =	shalt  }
0x7f: {  	_ =	shalt  }
0x80: {  	_ =	shalt  }
0x81: {  	_ =	shalt  }
0x82: {  	_ =	shalt  }
0x83: {  	_ =	shalt  }
0x84: {  	_ =	shalt  }
0x85: {  	_ =	shalt  }
0x86: {  	_ =	shalt  }
0x87: {  	_ =	shalt  }
.Lfunc_end0:
.L_simem_size_0:
called_computation.1_lowered:
.L_overlay_start_0:
0x88: {  	s2 =	sld [smem:$0x3FD9]  }
0x89: {  	s3 =	sld [smem:$0x3FFE];
	_ =	sdelay $0x1  }
0x8a: {  	s1 =	srdreg.scid  }
0x8b: {  	s0 =	sand.u32 $0x1, s1  }
0x8c: {  	s17 =	sshll.u32 s0, $0xA;
	s2 =	sadd.s32 s3, s2  }
0x8d: {  	s2 =	sadd.s32 s2, s17  }
0x8e: {  	[smem:$0x3FC2] =	sst s2  }
0x8f: {  	_ = 	snop  }
0x90: {  	s2 =	sld [smem:$0x3FD0];
	(tm) =	ssettm $0x1  }
0x91: {  	s18 =	sld [smem:$0x3FFB];
	_ =	sdelay $0x3  }
0x92: {  	_ =	strace s18  }
0x93: {  	s3 =	sld [smem:$0x3FFC];
	_ =	sdelay $0x3  }
0x94: {  	_ =	strace s3  }
0x95: {  	s3 =	sld [smem:$0x3FFD];
	_ =	sdelay $0x3  }
0x96: {  	_ =	strace s3  }
0x97: {  	_ =	strace $0x8FFFFFFF  }
0x98: {  	s19 =	sld [smem:$0x3FDB];
	_ =	sdelay $0x1  }
0x99: {  	s4 =	simm.s32 $_scs_section_size  }
0x9a: {  	s5 =	simm.s32 $_size__tile_overlayer_lowered;
	s6 =	simm.s32 $_tile_overlayer_lowered  }
0x9b: {  	s22 =	simm.s32 $0x1BFF;
	s21 =	sshll.u32 s6, $0x1;
	s3 =	sadd.s32 s4, s19  }
0x9c: {  	s7 =	simm.s32 $0x0;
	s20 =	sshll.u32 s5, $0x1;
	s5 =	sadd.s32 s21, s3  }
0x9d: {  	[timem:s7], [sflag:s22] =	dma.local [hbm:s5], s20  }
0x9e: {  	_ =	swait.ge [sflag:s22], s20  }
0x9f: {  	s4 =	ssub.s32 $0x0, s20;
	[sflag:s22] =	ssyncset.done $0x0  }
0xa0: {  	[sflag:s22] =	ssyncadd.s32 s4;
	_ =	sdelay $0x1  }
0xa1: {  	s23 =	simm.s32 $0x1B8B  }
0xa2: {  	_ =	swait.ge [sflag:s23], $0x1  }
0xa3: {  	[sflag:s23] =	ssyncset.done $0x0  }
0xa4: {  	s25 =	simm.s32 $0x1B8E;
	s24 =	sld [smem:$0x3FFE];
	[sflag:s23] =	ssyncadd.s32 $0xFFFFFFFF  }
0xa5: {  	s26 =	simm.s32 $execute0_lowered;
	[smem:$0x3FD2] =	sst s25  }
0xa6: {  	s5 =	sshll.u32 s26, $0x1;
	_ =	strace $0x80000049;
	[dreg:$0x1] =	wrdreg $0xFFFFFFFF  }
0xa7: {  	s28 =	simm.s32 $_size_execute0_lowered;
	s3 =	sadd.s32 s3, s5;
	[dreg:$0x0] =	wrdreg $0x0  }
0xa8: {  	s5 =	sshll.u32 s28, $0x1;
	[dreg:$0x2] =	wrdreg s3  }
0xa9: {  	[dreg:$0x3] =	wrdreg s5  }
0xaa: {  	[dreg:$0x4] =	wrdreg $0xC0  }
0xab: {  	_ =	task [dreg:s7], $0x5FFFF  }
0xac: {  	[dreg:$0x1] =	wrdreg $0xFFFFFFFF  }
0xad: {  	[dreg:$0x0] =	wrdreg $0x60  }
0xae: {  	[dreg:$0x2] =	wrdreg s24  }
0xaf: {  	[dreg:$0x3] =	wrdreg s2  }
0xb0: {  	[dreg:$0x4] =	wrdreg $0xA8000  }
0xb1: {  	[dreg:$0x5] =	wrdreg $0x9  }
0xb2: {  	_ =	task.clear_ibuf [dreg:s7], $0x6FFFF;
	_ =	strace $0x90000049  }
0xb3: {  	s29 =	simm.s32 $0x9;
	_ =	strace $0x8000004B  }
0xb4: {  	_ =	swait.ge [sflag:s29], $0x1  }
0xb5: {  	[sflag:s29] =	ssyncadd.s32 $0xFFFFFFFF  }
0xb6: {  	_ =	strace $0x9000004B  }
0xb7: {  	_ =	sfence  }
0xb8: {  	s30 =	sld [smem:$0x0];
	_ =	sdelay $0x2  }
0xb9: {  	s31 =	sshll.u32 s1, $0xD;
	s1 =	sshrl.u32 s1, $0x2  }
0xba: {  	s3 =	sand.u32 $0x4000, s31;
	s1 =	sadd.s32 s1, s30  }
0xbb: {  	s0 =	sor.u32 s3, s0;
	s1 =	sshll.u32 s1, $0x11  }
0xbc: {  	s0 =	sor.u32 s1, s0  }
0xbd: {  	s0 =	sadd.s32 $0x8F2B, s0  }
0xbe: {  	[sflag:s0] =	ssyncadd.remote.s32 $0x1  }
0xbf: {  	_ =	sfence.sel $0xFFFF  }
0xc0: {  	[dreg:$0x0] =	wrdreg $0xFFFFFFFF;
	(pc) =	sbr.abs _section_cstart, $3  }
0xc1: {  	[dreg:$0x1] =	wrdreg $0xFFFFFFFF  }
0xc2: {  	_ =	task.clear_ibuf [dreg:s7], $0x2FFFF;
	_ =	strace $0x9FFFFFFF  }
0xc3: {  	(tm) =	ssettm $0x7FFFFFFF  }
tec
execute0_lowered:
.L_overlay_start_1:
0x0: {  	(tag) =	ssettag $0x1  }
0x1: {  	s6 =	rddreg [dreg:$0x0]  }
0x2: {  	s11 =	rddreg [dreg:$0x1]  }
0x3: {  	s1 =	rddreg [dreg:$0x2];
	s2 =	srdreg.scid  }
0x4: {  	s0 =	rddreg [dreg:$0x3];
	s3 =	simm.s32 $0x0;
	s15 =	simm.s32 $0x1400  }
0x5: {  	s16 =	simm.s32 $0x80;
	s17 =	simm.s32 $0x2800;
	s18 =	simm.s32 $0x6800  }
0x6: {  	s19 =	simm.s32 $0x1;
	s20 =	simm.s32 $0x2;
	s21 =	simm.s32 $0x0  }
0x7: {  	s7 =	sand.u32 $0x1, s2;
	s2 =	stileid.u32;
	[smem:$0x7FF] =	sst s3  }
0x8: {  	s4 =	sadd.s32 $0xC800, s6;
	s12 =	sadd.s32 $0x2800, s6;
	s8 =	smul.u32 $0x140000, s7  }
0x9: {  	s5 =	sadd.s32 $0x34800, s6;
	s9 =	smul.u32 $0x14000, s2;
	_ =	strace $0x8000004A  }
0xa: {  	s26 =	sshll.u32 s2, $0x1;
	s10 =	smul.u32 $0x50000, s2;
	s28 =	ssub.s32 $0x2, s7  }
0xb: {  	s30 =	sshll.u32 s2, $0x6;
	s7 =	sor.u32 s7, s26;
	s29 =	sshrl.u32 s28, $0x1  }
0xc: {  	s8 =	sadd.s32 s9, s8;
	s10 =	sshrl.u32 s10, $0x2;
	s13 =	smul.u32 $0x2800, s7  }
0xd: {  	s9 =	ssub.s32 s28, s29;
	s8 =	sshrl.u32 s8, $0x3;
	s14 =	sadd.s32 s10, s1  }
0xe: {  	s8 =	sadd.s32 s8, s6;
	s6 =	sor.u32 $0x1C03, s30;
	s31 =	sshrl.u32 s13, $0x3  }
0xf: {  	s7 =	sadd.s32 $0x37000, s8;
	s8 =	smax.u32 s9, $0x1;
	s13 =	sadd.s32 $0x280, s31  }
0x10: {  	s9 =	sadd.s32 s11, s31;
	s10 =	sadd.s32 s12, s31;
	s11 =	sadd.s32 s11, s13  }
0x11: {  	s12 =	sadd.s32 s12, s13;
	s13 =	sshrl.u32 s14, $0x3;
	s14 =	simm.s32 $0x3  }
.LBB2_1:
0x12: {  	[spmem:s13], [sflag:s6] =	dma.local [hbm:s5], $0x2800  }
0x13: {  	_ =	swait.ge [sflag:s14], $0x2800  }
0x14: {  	[sflag:s14] =	ssyncset.done $0x0  }
0x15: {  	[sflag:s14] =	ssyncadd.s32 $0xFFFFD800  }
0x16: {  	[bflag:$0x0] =	sbarrier.arrive $0xFFFF  }
0x17: {  	[tilespmem:s3], [sflag:$0x3] =	stream.linear.gather [hbm4b:s9+s3], $0x1400, $0x38;
	[tilespmem:$0x1E800] =	vst v63  }
0x18: {  	_ =	swait.ge [sflag:s14], $0x1400  }
0x19: {  	[sflag:s14] =	ssyncset.done $0x0  }
0x1a: {  	[sflag:s14] =	ssyncadd.s32 $0xFFFFEC00  }
0x1b: {  	[tilespmem:s15], [sflag:$0x3] =	stream.linear.gather [hbm4b:s10+s3], $0x1400, $0x38;
	[tilespmem:$0x1E800] =	vst v63  }
0x1c: {  	_ =	swait.ge [sflag:s14], $0x1400  }
0x1d: {  	[sflag:s14] =	ssyncset.done $0x0  }
0x1e: {  	[sflag:s14] =	ssyncadd.s32 $0xFFFFEC00  }
0x1f: {  	[tilespmem:s17], [sflag:$0x1] =	stream.indirect.gather [hbm4b:s4+s16], $0x80, s3, s16, $0xb8;
	[tilespmem:$0x1E800] =	vst v63  }
0x20: {  	s22 =	simm.s32 $0x80  }
0x21: {  	[tilespmem:s18], [sflag:$0x2] =	stream.indirect.gather [hbm4b:s4+s16], $0x80, s22, s16, $0xb8;
	[tilespmem:$0x1E800] =	vst v63  }
0x22: {  	_ =	swait.ge [sflag:s19], $0x4000  }
0x23: {  	[sflag:s19] =	ssyncset.done $0x0  }
0x24: {  	s25 =	simm.s32 $0x1400;
	[sflag:s19] =	ssyncadd.s32 $0xFFFFC000  }
0x25: {  	[spmem:s1] =	stream.indirect.scatter.add.f32 [tilespmem:s17], [sflag:$0x3], $0x80, s25, s16, $0xb8;
	[tilespmem:$0x1E800] =	vst v63  }
0x26: {  	_ =	swait.ge [sflag:s14], $0x4000  }
0x27: {  	[sflag:s14] =	ssyncset.done $0x0  }
0x28: {  	s26 =	simm.s32 $0x100;
	[sflag:s14] =	ssyncadd.s32 $0xFFFFC000  }
0x29: {  	[tilespmem:s17], [sflag:$0x1] =	stream.indirect.gather [hbm4b:s4+s16], $0x80, s26, s16, $0xb8;
	[tilespmem:$0x1E800] =	vst v63  }
0x2a: {  	_ =	swait.ge [sflag:s20], $0x4000  }
0x2b: {  	[sflag:s20] =	ssyncset.done $0x0  }
0x2c: {  	s28 =	simm.s32 $0x1480;
	[sflag:s20] =	ssyncadd.s32 $0xFFFFC000  }
0x2d: {  	[spmem:s1] =	stream.indirect.scatter.add.f32 [tilespmem:s18], [sflag:$0x3], $0x80, s28, s16, $0xb8;
	[tilespmem:$0x1E800] =	vst v63  }
0x2e: {  	_ =	swait.ge [sflag:s14], $0x4000  }
0x2f: {  	[sflag:s14] =	ssyncset.done $0x0  }
0x30: {  	s29 =	simm.s32 $0x180;
	[sflag:s14] =	ssyncadd.s32 $0xFFFFC000  }
0x31: {  	[tilespmem:s18], [sflag:$0x2] =	stream.indirect.gather [hbm4b:s4+s16], $0x80, s29, s16, $0xb8;
	[tilespmem:$0x1E800] =	vst v63  }
0x32: {  	_ =	swait.ge [sflag:s19], $0x4000  }
0x33: {  	[sflag:s19] =	ssyncset.done $0x0  }
0x34: {  	s30 =	simm.s32 $0x1500;
	[sflag:s19] =	ssyncadd.s32 $0xFFFFC000  }
0x35: {  	[spmem:s1] =	stream.indirect.scatter.add.f32 [tilespmem:s17], [sflag:$0x3], $0x80, s30, s16, $0xb8;
	[tilespmem:$0x1E800] =	vst v63  }
0x36: {  	p0 =	por $0x0, $0x0;
	_ =	swait.ge [sflag:s14], $0x4000  }
0x37: {  	s23 =	simm.s32 @!p0 $0x200;
	[sflag:s14] =	ssyncset.done $0x0  }
0x38: {  	s24 =	simm.s32 @!p0 $0x80;
	s22 =	simm.s32 @!p0 $0x2800;
	[sflag:s14] =	ssyncadd.s32 $0xFFFFC000  }
0x39: {  	[tilespmem:s22], [sflag:$0x1] =	stream.indirect.gather @!p0 [hbm4b:s4+s24], $0x80, s23, s24, $0xb8;
	[tilespmem:$0x1E800] =	vst v63  }
0x3a: {  	_ =	swait.ge [sflag:s20], $0x4000  }
0x3b: {  	[sflag:s20] =	ssyncset.done $0x0  }
0x3c: {  	s31 =	simm.s32 $0x1580;
	[sflag:s20] =	ssyncadd.s32 $0xFFFFC000  }
0x3d: {  	[spmem:s1] =	stream.indirect.scatter.add.f32 [tilespmem:s18], [sflag:$0x3], $0x80, s31, s16, $0xb8;
	[tilespmem:$0x1E800] =	vst v63  }
0x3e: {  	s26 =	simm.s32 $0x4;
	s23 =	simm.s32 $0x2;
	_ =	swait.ge [sflag:s14], $0x4000  }
0x3f: {  	s24 =	simm.s32 $0x800;
	s22 =	simm.s32 $0x200;
	[sflag:s14] =	ssyncset.done $0x0  }
.LBB2_2:
0x40: {  	s28 =	sadd.s32 $0x80, s22  }
0x41: {  	[sflag:s14] =	ssyncadd.s32 $0xFFFFC000;
	s29 =	smov.u32 s26;
	s25 =	sadd.s32 $0x2, s26  }
0x42: {  	[tilespmem:s18], [sflag:$0x2] =	stream.indirect.gather [hbm4b:s4+s16], $0x80, s28, s16, $0xb8;
	[tilespmem:$0x1E800] =	vst v63  }
0x43: {  	p0 =	slt.u32 s26, $0x12;
	_ =	swait.ge [sflag:s19], $0x4000  }
0x44: {  	[sflag:s19] =	ssyncset.done $0x0  }
0x45: {  	s26 =	sadd.s32 $0x1400, s22;
	[sflag:s19] =	ssyncadd.s32 $0xFFFFC000  }
0x46: {  	[spmem:s1] =	stream.indirect.scatter.add.f32 [tilespmem:s17], [sflag:$0x3], $0x80, s26, s16, $0xb8;
	[tilespmem:$0x1E800] =	vst v63  }
0x47: {  	_ =	swait.ge [sflag:s14], $0x4000  }
0x48: {  	[sflag:s14] =	ssyncset.done $0x0  }
0x49: {  	s26 =	sadd.s32 $0x100, s22;
	[sflag:s14] =	ssyncadd.s32 $0xFFFFC000  }
0x4a: {  	[tilespmem:s17], [sflag:$0x1] =	stream.indirect.gather [hbm4b:s4+s16], $0x80, s26, s16, $0xb8;
	[tilespmem:$0x1E800] =	vst v63  }
0x4b: {  	_ =	swait.ge [sflag:s20], $0x4000  }
0x4c: {  	[sflag:s20] =	ssyncset.done $0x0  }
0x4d: {  	s26 =	sadd.s32 $0x1480, s22;
	[sflag:s20] =	ssyncadd.s32 $0xFFFFC000  }
0x4e: {  	[spmem:s1] =	stream.indirect.scatter.add.f32 [tilespmem:s18], [sflag:$0x3], $0x80, s26, s16, $0xb8;
	[tilespmem:$0x1E800] =	vst v63  }
0x4f: {  	_ =	swait.ge [sflag:s14], $0x4000  }
0x50: {  	[sflag:s14] =	ssyncset.done $0x0  }
0x51: {  	s26 =	sadd.s32 $0x180, s22;
	[sflag:s14] =	ssyncadd.s32 $0xFFFFC000  }
0x52: {  	[tilespmem:s18], [sflag:$0x2] =	stream.indirect.gather [hbm4b:s4+s16], $0x80, s26, s16, $0xb8;
	[tilespmem:$0x1E800] =	vst v63  }
0x53: {  	_ =	swait.ge [sflag:s19], $0x4000  }
0x54: {  	[sflag:s19] =	ssyncset.done $0x0  }
0x55: {  	s26 =	sadd.s32 $0x1500, s22;
	[sflag:s19] =	ssyncadd.s32 $0xFFFFC000  }
0x56: {  	[spmem:s1] =	stream.indirect.scatter.add.f32 [tilespmem:s17], [sflag:$0x3], $0x80, s26, s16, $0xb8;
	[tilespmem:$0x1E800] =	vst v63  }
0x57: {  	p1 =	sgt.u32 s23, $0x11;
	s23 =	smov.u32 s29;
	_ =	swait.ge [sflag:s14], $0x4000  }
0x58: {  	s28 =	simm.s32 @!p1 $0x2800;
	s26 =	sshra.s32 @!p1 s24, $0x2;
	[sflag:s14] =	ssyncset.done $0x0  }
0x59: {  	s29 =	simm.s32 @!p1 $0x80;
	s26 =	sadd.s32 @!p1 $0x200, s26;
	[sflag:s14] =	ssyncadd.s32 $0xFFFFC000  }
0x5a: {  	[tilespmem:s28], [sflag:$0x1] =	stream.indirect.gather @!p1 [hbm4b:s4+s29], $0x80, s26, s29, $0xb8;
	[tilespmem:$0x1E800] =	vst v63  }
0x5b: {  	_ =	swait.ge [sflag:s20], $0x4000  }
.Ltmp0:
0x5c: {  	[sflag:s20] =	ssyncset.done $0x0;
	(pc) =	sbr.rel @p0 .LBB2_2-.Ltmp0, $4  }
0x5d: {  	s22 =	sadd.s32 $0x1580, s22;
	[sflag:s20] =	ssyncadd.s32 $0xFFFFC000  }
0x5e: {  	[spmem:s1] =	stream.indirect.scatter.add.f32 [tilespmem:s18], [sflag:$0x3], $0x80, s22, s16, $0xb8;
	[tilespmem:$0x1E800] =	vst v63  }
0x5f: {  	s24 =	sadd.s32 $0x800, s24;
	_ =	swait.ge [sflag:s14], $0x4000  }
0x60: {  	s26 =	smov.u32 s25;
	s22 =	sshra.s32 s24, $0x2;
	[sflag:s14] =	ssyncset.done $0x0  }
0x61: {  	s25 =	sadd.s32 $0x80, s22;
	[sflag:s14] =	ssyncadd.s32 $0xFFFFC000  }
0x62: {  	[tilespmem:s18], [sflag:$0x2] =	stream.indirect.gather [hbm4b:s4+s16], $0x80, s25, s16, $0xb8;
	[tilespmem:$0x1E800] =	vst v63  }
0x63: {  	_ =	swait.ge [sflag:s19], $0x4000  }
0x64: {  	[sflag:s19] =	ssyncset.done $0x0  }
0x65: {  	s31 =	sadd.s32 $0x1400, s22;
	[sflag:s19] =	ssyncadd.s32 $0xFFFFC000  }
0x66: {  	[spmem:s1] =	stream.indirect.scatter.add.f32 [tilespmem:s17], [sflag:$0x3], $0x80, s31, s16, $0xb8;
	[tilespmem:$0x1E800] =	vst v63  }
0x67: {  	_ =	swait.ge [sflag:s14], $0x4000  }
0x68: {  	[sflag:s14] =	ssyncset.done $0x0  }
0x69: {  	s26 =	sadd.s32 $0x100, s22;
	[sflag:s14] =	ssyncadd.s32 $0xFFFFC000  }
0x6a: {  	[tilespmem:s17], [sflag:$0x1] =	stream.indirect.gather [hbm4b:s4+s16], $0x80, s26, s16, $0xb8;
	[tilespmem:$0x1E800] =	vst v63  }
0x6b: {  	_ =	swait.ge [sflag:s20], $0x4000  }
0x6c: {  	[sflag:s20] =	ssyncset.done $0x0  }
0x6d: {  	s28 =	sadd.s32 $0x1480, s22;
	[sflag:s20] =	ssyncadd.s32 $0xFFFFC000  }
0x6e: {  	[spmem:s1] =	stream.indirect.scatter.add.f32 [tilespmem:s18], [sflag:$0x3], $0x80, s28, s16, $0xb8;
	[tilespmem:$0x1E800] =	vst v63  }
0x6f: {  	_ =	swait.ge [sflag:s14], $0x4000  }
0x70: {  	[sflag:s14] =	ssyncset.done $0x0  }
0x71: {  	s29 =	sadd.s32 $0x180, s22;
	[sflag:s14] =	ssyncadd.s32 $0xFFFFC000  }
0x72: {  	[tilespmem:s18], [sflag:$0x2] =	stream.indirect.gather [hbm4b:s4+s16], $0x80, s29, s16, $0xb8;
	[tilespmem:$0x1E800] =	vst v63  }
0x73: {  	_ =	swait.ge [sflag:s19], $0x4000  }
0x74: {  	[sflag:s19] =	ssyncset.done $0x0  }
0x75: {  	s30 =	sadd.s32 $0x1500, s22;
	[sflag:s19] =	ssyncadd.s32 $0xFFFFC000  }
0x76: {  	[spmem:s1] =	stream.indirect.scatter.add.f32 [tilespmem:s17], [sflag:$0x3], $0x80, s30, s16, $0xb8;
	[tilespmem:$0x1E800] =	vst v63  }
0x77: {  	p0 =	sgt.u32 s23, $0x11;
	_ =	swait.ge [sflag:s14], $0x4000  }
0x78: {  	s23 =	sshra.s32 @!p0 s24, $0x2;
	s24 =	simm.s32 @!p0 $0x2800;
	[sflag:s14] =	ssyncset.done $0x0  }
0x79: {  	s25 =	simm.s32 @!p0 $0x80;
	s23 =	sadd.s32 @!p0 $0x200, s23;
	[sflag:s14] =	ssyncadd.s32 $0xFFFFC000  }
0x7a: {  	[tilespmem:s24], [sflag:$0x1] =	stream.indirect.gather @!p0 [hbm4b:s4+s25], $0x80, s23, s25, $0xb8;
	[tilespmem:$0x1E800] =	vst v63  }
0x7b: {  	_ =	swait.ge [sflag:s20], $0x4000  }
0x7c: {  	[sflag:s20] =	ssyncset.done $0x0  }
0x7d: {  	s31 =	sadd.s32 $0x1580, s22;
	[sflag:s20] =	ssyncadd.s32 $0xFFFFC000  }
0x7e: {  	[spmem:s1] =	stream.indirect.scatter.add.f32 [tilespmem:s18], [sflag:$0x3], $0x80, s31, s16, $0xb8;
	[tilespmem:$0x1E800] =	vst v63  }
0x7f: {  	_ =	swait.ge [sflag:s14], $0x4000  }
0x80: {  	[sflag:s14] =	ssyncset.done $0x0  }
0x81: {  	s23 =	simm.s32 $0x0;
	[sflag:s14] =	ssyncadd.s32 $0xFFFFC000  }
0x82: {  	[tilespmem:s23], [sflag:$0x3] =	stream.linear.gather [hbm4b:s11+s23], $0x1400, $0x38;
	[tilespmem:$0x1E800] =	vst v63  }
0x83: {  	_ =	swait.ge [sflag:s14], $0x1400  }
0x84: {  	[sflag:s14] =	ssyncset.done $0x0  }
0x85: {  	[sflag:s14] =	ssyncadd.s32 $0xFFFFEC00  }
0x86: {  	[tilespmem:s15], [sflag:$0x3] =	stream.linear.gather [hbm4b:s12+s23], $0x1400, $0x38;
	[tilespmem:$0x1E800] =	vst v63  }
0x87: {  	_ =	swait.ge [sflag:s14], $0x1400  }
0x88: {  	[sflag:s14] =	ssyncset.done $0x0  }
0x89: {  	[sflag:s14] =	ssyncadd.s32 $0xFFFFEC00  }
0x8a: {  	[tilespmem:s17], [sflag:$0x1] =	stream.indirect.gather [hbm4b:s4+s16], $0x80, s23, s16, $0xb8;
	[tilespmem:$0x1E800] =	vst v63  }
0x8b: {  	s24 =	simm.s32 $0x80  }
0x8c: {  	[tilespmem:s18], [sflag:$0x2] =	stream.indirect.gather [hbm4b:s4+s16], $0x80, s24, s16, $0xb8;
	[tilespmem:$0x1E800] =	vst v63  }
0x8d: {  	_ =	swait.ge [sflag:s19], $0x4000  }
0x8e: {  	[sflag:s19] =	ssyncset.done $0x0  }
0x8f: {  	s25 =	simm.s32 $0x1400;
	[sflag:s19] =	ssyncadd.s32 $0xFFFFC000  }
0x90: {  	[spmem:s1] =	stream.indirect.scatter.add.f32 [tilespmem:s17], [sflag:$0x3], $0x80, s25, s16, $0xb8;
	[tilespmem:$0x1E800] =	vst v63  }
0x91: {  	_ =	swait.ge [sflag:s14], $0x4000  }
0x92: {  	[sflag:s14] =	ssyncset.done $0x0  }
0x93: {  	s26 =	simm.s32 $0x100;
	[sflag:s14] =	ssyncadd.s32 $0xFFFFC000  }
0x94: {  	[tilespmem:s17], [sflag:$0x1] =	stream.indirect.gather [hbm4b:s4+s16], $0x80, s26, s16, $0xb8;
	[tilespmem:$0x1E800] =	vst v63  }
0x95: {  	_ =	swait.ge [sflag:s20], $0x4000  }
0x96: {  	[sflag:s20] =	ssyncset.done $0x0  }
0x97: {  	s28 =	simm.s32 $0x1480;
	[sflag:s20] =	ssyncadd.s32 $0xFFFFC000  }
0x98: {  	[spmem:s1] =	stream.indirect.scatter.add.f32 [tilespmem:s18], [sflag:$0x3], $0x80, s28, s16, $0xb8;
	[tilespmem:$0x1E800] =	vst v63  }
0x99: {  	_ =	swait.ge [sflag:s14], $0x4000  }
0x9a: {  	[sflag:s14] =	ssyncset.done $0x0  }
0x9b: {  	s29 =	simm.s32 $0x180;
	[sflag:s14] =	ssyncadd.s32 $0xFFFFC000  }
0x9c: {  	[tilespmem:s18], [sflag:$0x2] =	stream.indirect.gather [hbm4b:s4+s16], $0x80, s29, s16, $0xb8;
	[tilespmem:$0x1E800] =	vst v63  }
0x9d: {  	_ =	swait.ge [sflag:s19], $0x4000  }
0x9e: {  	[sflag:s19] =	ssyncset.done $0x0  }
0x9f: {  	s30 =	simm.s32 $0x1500;
	[sflag:s19] =	ssyncadd.s32 $0xFFFFC000  }
0xa0: {  	[spmem:s1] =	stream.indirect.scatter.add.f32 [tilespmem:s17], [sflag:$0x3], $0x80, s30, s16, $0xb8;
	[tilespmem:$0x1E800] =	vst v63  }
0xa1: {  	p0 =	por $0x0, $0x0;
	_ =	swait.ge [sflag:s14], $0x4000  }
0xa2: {  	s22 =	simm.s32 @!p0 $0x2800;
	[sflag:s14] =	ssyncset.done $0x0  }
0xa3: {  	s23 =	simm.s32 @!p0 $0x200;
	s24 =	simm.s32 @!p0 $0x80;
	[sflag:s14] =	ssyncadd.s32 $0xFFFFC000  }
0xa4: {  	[tilespmem:s22], [sflag:$0x1] =	stream.indirect.gather @!p0 [hbm4b:s4+s24], $0x80, s23, s24, $0xb8;
	[tilespmem:$0x1E800] =	vst v63  }
0xa5: {  	_ =	swait.ge [sflag:s20], $0x4000  }
0xa6: {  	[sflag:s20] =	ssyncset.done $0x0  }
0xa7: {  	s31 =	simm.s32 $0x1580;
	[sflag:s20] =	ssyncadd.s32 $0xFFFFC000  }
0xa8: {  	[spmem:s1] =	stream.indirect.scatter.add.f32 [tilespmem:s18], [sflag:$0x3], $0x80, s31, s16, $0xb8;
	[tilespmem:$0x1E800] =	vst v63  }
0xa9: {  	s26 =	simm.s32 $0x4;
	s23 =	simm.s32 $0x2;
	_ =	swait.ge [sflag:s14], $0x4000  }
0xaa: {  	s24 =	simm.s32 $0x800;
	s22 =	simm.s32 $0x200;
	[sflag:s14] =	ssyncset.done $0x0  }
.LBB2_4:
0xab: {  	s28 =	sadd.s32 $0x80, s22  }
0xac: {  	[sflag:s14] =	ssyncadd.s32 $0xFFFFC000;
	s29 =	smov.u32 s26;
	s25 =	sadd.s32 $0x2, s26  }
0xad: {  	[tilespmem:s18], [sflag:$0x2] =	stream.indirect.gather [hbm4b:s4+s16], $0x80, s28, s16, $0xb8;
	[tilespmem:$0x1E800] =	vst v63  }
0xae: {  	p0 =	slt.u32 s26, $0x12;
	_ =	swait.ge [sflag:s19], $0x4000  }
0xaf: {  	[sflag:s19] =	ssyncset.done $0x0  }
0xb0: {  	s26 =	sadd.s32 $0x1400, s22;
	[sflag:s19] =	ssyncadd.s32 $0xFFFFC000  }
0xb1: {  	[spmem:s1] =	stream.indirect.scatter.add.f32 [tilespmem:s17], [sflag:$0x3], $0x80, s26, s16, $0xb8;
	[tilespmem:$0x1E800] =	vst v63  }
0xb2: {  	_ =	swait.ge [sflag:s14], $0x4000  }
0xb3: {  	[sflag:s14] =	ssyncset.done $0x0  }
0xb4: {  	s26 =	sadd.s32 $0x100, s22;
	[sflag:s14] =	ssyncadd.s32 $0xFFFFC000  }
0xb5: {  	[tilespmem:s17], [sflag:$0x1] =	stream.indirect.gather [hbm4b:s4+s16], $0x80, s26, s16, $0xb8;
	[tilespmem:$0x1E800] =	vst v63  }
0xb6: {  	_ =	swait.ge [sflag:s20], $0x4000  }
0xb7: {  	[sflag:s20] =	ssyncset.done $0x0  }
0xb8: {  	s26 =	sadd.s32 $0x1480, s22;
	[sflag:s20] =	ssyncadd.s32 $0xFFFFC000  }
0xb9: {  	[spmem:s1] =	stream.indirect.scatter.add.f32 [tilespmem:s18], [sflag:$0x3], $0x80, s26, s16, $0xb8;
	[tilespmem:$0x1E800] =	vst v63  }
0xba: {  	_ =	swait.ge [sflag:s14], $0x4000  }
0xbb: {  	[sflag:s14] =	ssyncset.done $0x0  }
0xbc: {  	s26 =	sadd.s32 $0x180, s22;
	[sflag:s14] =	ssyncadd.s32 $0xFFFFC000  }
0xbd: {  	[tilespmem:s18], [sflag:$0x2] =	stream.indirect.gather [hbm4b:s4+s16], $0x80, s26, s16, $0xb8;
	[tilespmem:$0x1E800] =	vst v63  }
0xbe: {  	_ =	swait.ge [sflag:s19], $0x4000  }
0xbf: {  	[sflag:s19] =	ssyncset.done $0x0  }
0xc0: {  	s26 =	sadd.s32 $0x1500, s22;
	[sflag:s19] =	ssyncadd.s32 $0xFFFFC000  }
0xc1: {  	[spmem:s1] =	stream.indirect.scatter.add.f32 [tilespmem:s17], [sflag:$0x3], $0x80, s26, s16, $0xb8;
	[tilespmem:$0x1E800] =	vst v63  }
0xc2: {  	p1 =	sgt.u32 s23, $0x11;
	s23 =	smov.u32 s29;
	_ =	swait.ge [sflag:s14], $0x4000  }
0xc3: {  	s28 =	simm.s32 @!p1 $0x2800;
	s26 =	sshra.s32 @!p1 s24, $0x2;
	[sflag:s14] =	ssyncset.done $0x0  }
0xc4: {  	s29 =	simm.s32 @!p1 $0x80;
	s26 =	sadd.s32 @!p1 $0x200, s26;
	[sflag:s14] =	ssyncadd.s32 $0xFFFFC000  }
0xc5: {  	[tilespmem:s28], [sflag:$0x1] =	stream.indirect.gather @!p1 [hbm4b:s4+s29], $0x80, s26, s29, $0xb8;
	[tilespmem:$0x1E800] =	vst v63  }
0xc6: {  	_ =	swait.ge [sflag:s20], $0x4000  }
.Ltmp1:
0xc7: {  	[sflag:s20] =	ssyncset.done $0x0;
	(pc) =	sbr.rel @p0 .LBB2_4-.Ltmp1, $4  }
0xc8: {  	s22 =	sadd.s32 $0x1580, s22;
	[sflag:s20] =	ssyncadd.s32 $0xFFFFC000  }
0xc9: {  	[spmem:s1] =	stream.indirect.scatter.add.f32 [tilespmem:s18], [sflag:$0x3], $0x80, s22, s16, $0xb8;
	[tilespmem:$0x1E800] =	vst v63  }
0xca: {  	s24 =	sadd.s32 $0x800, s24;
	_ =	swait.ge [sflag:s14], $0x4000  }
0xcb: {  	s26 =	smov.u32 s25;
	s22 =	sshra.s32 s24, $0x2;
	[sflag:s14] =	ssyncset.done $0x0  }
0xcc: {  	s25 =	sadd.s32 $0x80, s22;
	[sflag:s14] =	ssyncadd.s32 $0xFFFFC000  }
0xcd: {  	[tilespmem:s18], [sflag:$0x2] =	stream.indirect.gather [hbm4b:s4+s16], $0x80, s25, s16, $0xb8;
	[tilespmem:$0x1E800] =	vst v63  }
0xce: {  	_ =	swait.ge [sflag:s19], $0x4000  }
0xcf: {  	[sflag:s19] =	ssyncset.done $0x0  }
0xd0: {  	s31 =	sadd.s32 $0x1400, s22;
	[sflag:s19] =	ssyncadd.s32 $0xFFFFC000  }
0xd1: {  	[spmem:s1] =	stream.indirect.scatter.add.f32 [tilespmem:s17], [sflag:$0x3], $0x80, s31, s16, $0xb8;
	[tilespmem:$0x1E800] =	vst v63  }
0xd2: {  	_ =	swait.ge [sflag:s14], $0x4000  }
0xd3: {  	[sflag:s14] =	ssyncset.done $0x0  }
0xd4: {  	s26 =	sadd.s32 $0x100, s22;
	[sflag:s14] =	ssyncadd.s32 $0xFFFFC000  }
0xd5: {  	[tilespmem:s17], [sflag:$0x1] =	stream.indirect.gather [hbm4b:s4+s16], $0x80, s26, s16, $0xb8;
	[tilespmem:$0x1E800] =	vst v63  }
0xd6: {  	_ =	swait.ge [sflag:s20], $0x4000  }
0xd7: {  	[sflag:s20] =	ssyncset.done $0x0  }
0xd8: {  	s28 =	sadd.s32 $0x1480, s22;
	[sflag:s20] =	ssyncadd.s32 $0xFFFFC000  }
0xd9: {  	[spmem:s1] =	stream.indirect.scatter.add.f32 [tilespmem:s18], [sflag:$0x3], $0x80, s28, s16, $0xb8;
	[tilespmem:$0x1E800] =	vst v63  }
0xda: {  	_ =	swait.ge [sflag:s14], $0x4000  }
0xdb: {  	[sflag:s14] =	ssyncset.done $0x0  }
0xdc: {  	s29 =	sadd.s32 $0x180, s22;
	[sflag:s14] =	ssyncadd.s32 $0xFFFFC000  }
0xdd: {  	[tilespmem:s18], [sflag:$0x2] =	stream.indirect.gather [hbm4b:s4+s16], $0x80, s29, s16, $0xb8;
	[tilespmem:$0x1E800] =	vst v63  }
0xde: {  	_ =	swait.ge [sflag:s19], $0x4000  }
0xdf: {  	[sflag:s19] =	ssyncset.done $0x0  }
0xe0: {  	s30 =	sadd.s32 $0x1500, s22;
	[sflag:s19] =	ssyncadd.s32 $0xFFFFC000  }
0xe1: {  	[spmem:s1] =	stream.indirect.scatter.add.f32 [tilespmem:s17], [sflag:$0x3], $0x80, s30, s16, $0xb8;
	[tilespmem:$0x1E800] =	vst v63  }
0xe2: {  	p0 =	sgt.u32 s23, $0x11;
	_ =	swait.ge [sflag:s14], $0x4000  }
0xe3: {  	s23 =	sshra.s32 @!p0 s24, $0x2;
	s24 =	simm.s32 @!p0 $0x2800;
	[sflag:s14] =	ssyncset.done $0x0  }
0xe4: {  	s25 =	simm.s32 @!p0 $0x80;
	s23 =	sadd.s32 @!p0 $0x200, s23;
	[sflag:s14] =	ssyncadd.s32 $0xFFFFC000  }
0xe5: {  	[tilespmem:s24], [sflag:$0x1] =	stream.indirect.gather @!p0 [hbm4b:s4+s25], $0x80, s23, s25, $0xb8;
	[tilespmem:$0x1E800] =	vst v63  }
0xe6: {  	_ =	swait.ge [sflag:s20], $0x4000  }
0xe7: {  	[sflag:s20] =	ssyncset.done $0x0  }
0xe8: {  	s31 =	sadd.s32 $0x1580, s22;
	[sflag:s20] =	ssyncadd.s32 $0xFFFFC000  }
0xe9: {  	[spmem:s1] =	stream.indirect.scatter.add.f32 [tilespmem:s18], [sflag:$0x3], $0x80, s31, s16, $0xb8;
	[tilespmem:$0x1E800] =	vst v63  }
0xea: {  	_ =	swait.ge [sflag:s14], $0x4000  }
0xeb: {  	s21 =	sadd.s32 $0x1, s21;
	[sflag:s14] =	ssyncset.done $0x0  }
0xec: {  	p0 =	sne.s32 s21, s8;
	[sflag:s14] =	ssyncadd.s32 $0xFFFFC000  }
.Ltmp2:
0xed: {  	[bflag:$0x0] =	sbarrier.arrive $0xFFFF;
	(pc) =	sbr.rel @p0 .LBB2_1-.Ltmp2, $4  }
0xee: {  	[hbm:s7], [sflag:s6] =	dma.local [spmem:s13], $0x2800  }
0xef: {  	_ =	swait.ge [sflag:s14], $0x2800  }
0xf0: {  	[sflag:s14] =	ssyncset.done $0x0  }
0xf1: {  	[sflag:s14] =	ssyncadd.s32 $0xFFFFD800  }
0xf2: {  	_ =	sfence.sel $0x180000  }
0xf3: {  	[bflag:$0x0] =	sbarrier.arrive $0xFFFF  }
0xf4: {  	p0 =	sne.s32 s2, $0x0;
	_ =	strace $0x9000004A  }
0xf5: {  	s0 =	sadd.s32 @!p0 $0x100000, s0;
	[bflag:$0x2] =	sbarrier.arrive $0xFFFF  }
0xf6: {  	[sflag:s0] =	ssyncadd.tile.s32 @!p0 $0x1;
	_ =	shalt  }
.Lfunc_end2:
_tile_overlayer_lowered:
.L_overlay_start_2:
0xf7: {  	(tag) =	ssettag $0x2  }
0xf8: {  	s0 =	rddreg [dreg:$0x0];
	s2 =	stileid.u32  }
0xf9: {  	s1 =	rddreg [dreg:$0x1];
	p0 =	sne.s32 s2, $0x0  }
0xfa: {  	s3 =	rddreg [dreg:$0x2];
	[bflag:$0x3] =	sbarrier.arrive $0xFFFF;
	s2 =	simm.s32 @!p0 $0x1C03  }
0xfb: {  	[timem:s3], [sflag:s2] =	dma.local @!p0 [hbm:s0], s1  }
0xfc: {  	s0 =	simm.s32 @!p0 $0x3  }
0xfd: {  	_ =	swait.ge @!p0 [sflag:s0], s1  }
0xfe: {  	s1 =	ssub.s32 @!p0 $0x0, s1;
	[sflag:s0] =	ssyncset.done @!p0 $0x0  }
0xff: {  	[sflag:s0] =	ssyncadd.s32 @!p0 s1  }
0x100: {  	[bflag:$0x3] =	sbarrier.arrive $0xFFFF  }
0x101: {  	_ =	shalt  }

// kernel: kernel.15.cloned.1.call-start
scs
__scs_entry_jumppad:
0x0: {  	(pc) =	sbr.rel $0x88, $3  }
0x1: {  	(tag) =	ssettag $0x0;
	lr =	simm.s32 $0x1  }
0x2: {  	[smem:$0x3F9B] =	sst lr;
	_ =	strace $0xD0000000  }
0x3: {  	_ = 	snop  }
0x4: {  	_ = 	snop  }
0x5: {  	_ = 	snop  }
0x6: {  	_ = 	snop  }
0x7: {  	_ = 	snop  }
__scs_overlays_trampoline_lowered:
0x8: {  	[smem:$0x3FAA] =	sst s0  }
0x9: {  	[smem:$0x3FAB] =	sst s1  }
0xa: {  	[smem:$0x3FAC] =	sst s2  }
0xb: {  	[smem:$0x3FAD] =	sst s3  }
0xc: {  	[smem:$0x3FAE] =	sst s4  }
0xd: {  	[smem:$0x3FAF] =	sst s5  }
0xe: {  	[smem:$0x3FB0] =	sst s6  }
0xf: {  	[smem:$0x3FB1] =	sst s7  }
0x10: {  	[smem:$0x3FB2] =	sst s8  }
0x11: {  	[smem:$0x3FB3] =	sst s9;
	s0 =	simm.s32 @!p0 $0x0  }
0x12: {  	s1 =	sld [smem:$0x3F99];
	s0 =	simm.s32 @p0 $0x1  }
0x13: {  	[smem:$0x3FB4] =	sst s0;
	s0 =	simm.s32 @!p1 $0x0  }
0x14: {  	s2 =	sld [smem:$0x3F98];
	s0 =	simm.s32 @p1 $0x1  }
0x15: {  	[smem:$0x3FB5] =	sst s0;
	s0 =	simm.s32 @!p2 $0x0  }
0x16: {  	s3 =	sld [smem:$0x3FDB];
	s0 =	simm.s32 @p2 $0x1  }
0x17: {  	s4 =	simm.s32 $0x1BF5;
	[smem:$0x3FB7] =	sst s0  }
0x18: {  	s0 =	sld [smem:$0x3F9A];
	_ =	swait.ge [sflag:s4], $0x0  }
0x19: {  	s7 =	sld [smem:$0x3F9B]  }
0x1a: {  	s8 =	sadd.s32 $0xFFFFE003, lr  }
0x1b: {  	s9 =	sadd.s32 $0xFFFFFEF7, lr;
	s5 =	simm.s32 $0xFFFFFFFF;
	p2 =	slt.u32 s8, $0xFFFFF086  }
0x1c: {  	p1 =	slt.u32 s9, $0xF7A;
	s5 =	simm.s32 @!p2 $0x0  }
0x1d: {  	s5 =	simm.s32 @p1 $0x1;
	p0 =	seq.s32 s7, s2  }
0x1e: {  	s7 =	smul.u32 @!p0 $0xF7A, s2;
	p2 =	seq.s32 @!p0 s5, $0x0  }
0x1f: {  	s9 =	smul.u32 $0xF7A, s1;
	s8 =	simm.s32 @!p0 $0x1BF5;
	p2 =	por !p2, p0  }
0x20: {  	[sflag:s8] =	ssyncset.s32 @!p0 $0xFFFFF086;
	s6 =	sadd.s32 @!p0 s3, s7;
	s7 =	simm.s32 @!p0 $0x108  }
0x21: {  	s3 =	sadd.s32 s3, s9;
	s6 =	sadd.s32 @!p0 $0x88, s6;
	s7 =	simm.s32 @p2 $0x1082  }
0x22: {  	[simem:s7], [sflag:s8] =	dma.local @!p0 [hbm:s6], $0xF7A  }
0x23: {  	s9 =	sor.u32 $0xD0000000, s2;
	s6 =	simm.s32 $0x108;
	_ =	swait.ge @!p0 [sflag:s8], $0x0  }
0x24: {  	s3 =	sadd.s32 $0x88, s3;
	s6 =	simm.s32 @!p1 $0x1082;
	[sflag:s4] =	ssyncset.s32 $0xFFFFF086  }
0x25: {  	[simem:s6], [sflag:s4] =	dma.local [hbm:s3], $0xF7A  }
0x26: {  	[smem:$0x3F9B] =	sst s1;
	(tag) =	ssettag s2;
	_ =	strace s9  }
0x27: {  	s1 =	sld [smem:$0x3FAB]  }
0x28: {  	s2 =	sld [smem:$0x3FAC]  }
0x29: {  	s4 =	sld [smem:$0x3FAE]  }
0x2a: {  	p0 =	seq.s32 s5, $0x0;
	s5 =	sld [smem:$0x3FAF]  }
0x2b: {  	s6 =	sld [smem:$0x3FB0]  }
0x2c: {  	s7 =	sld [smem:$0x3FB1]  }
0x2d: {  	s3 =	simm.s32 $0x108;
	s8 =	sld [smem:$0x3FB2]  }
0x2e: {  	s3 =	simm.s32 @!p0 $0x1082;
	s9 =	sld [smem:$0x3FB3]  }
0x2f: {  	lr =	sadd.s32 s0, s3;
	s0 =	sld [smem:$0x3FAA]  }
0x30: {  	s3 =	sld [smem:$0x3FAD]  }
0x31: {  	[smem:$0x3FB6] =	sst s10  }
0x32: {  	s10 =	sld [smem:$0x3FB4];
	_ =	sdelay $0x3  }
0x33: {  	p0 =	seq.s32 s10, $0x1;
	s10 =	sld [smem:$0x3FB6];
	_ =	sdelay $0x3  }
0x34: {  	[smem:$0x3FB6] =	sst s10  }
0x35: {  	s10 =	sld [smem:$0x3FB5];
	_ =	sdelay $0x3  }
0x36: {  	p1 =	seq.s32 s10, $0x1;
	s10 =	sld [smem:$0x3FB6];
	_ =	sdelay $0x3  }
0x37: {  	[smem:$0x3FB6] =	sst s10  }
0x38: {  	s10 =	sld [smem:$0x3FB7]  }
0x39: {  	_ = 	snop;
	(pc) =	sbr.ind lr, $3  }
0x3a: {  	_ = 	snop  }
0x3b: {  	_ = 	snop  }
0x3c: {  	p2 =	seq.s32 s10, $0x1;
	s10 =	sld [smem:$0x3FB6]  }
0x3d: {  	_ =	shalt  }
0x3e: {  	_ =	shalt  }
0x3f: {  	_ =	shalt  }
0x40: {  	_ =	shalt  }
0x41: {  	_ =	shalt  }
0x42: {  	_ =	shalt  }
0x43: {  	_ =	shalt  }
0x44: {  	_ =	shalt  }
0x45: {  	_ =	shalt  }
0x46: {  	_ =	shalt  }
0x47: {  	_ =	shalt  }
0x48: {  	_ =	shalt  }
0x49: {  	_ =	shalt  }
0x4a: {  	_ =	shalt  }
0x4b: {  	_ =	shalt  }
0x4c: {  	_ =	shalt  }
0x4d: {  	_ =	shalt  }
0x4e: {  	_ =	shalt  }
0x4f: {  	_ =	shalt  }
0x50: {  	_ =	shalt  }
0x51: {  	_ =	shalt  }
0x52: {  	_ =	shalt  }
0x53: {  	_ =	shalt  }
0x54: {  	_ =	shalt  }
0x55: {  	_ =	shalt  }
0x56: {  	_ =	shalt  }
0x57: {  	_ =	shalt  }
0x58: {  	_ =	shalt  }
0x59: {  	_ =	shalt  }
0x5a: {  	_ =	shalt  }
0x5b: {  	_ =	shalt  }
0x5c: {  	_ =	shalt  }
0x5d: {  	_ =	shalt  }
0x5e: {  	_ =	shalt  }
0x5f: {  	_ =	shalt  }
0x60: {  	_ =	shalt  }
0x61: {  	_ =	shalt  }
0x62: {  	_ =	shalt  }
0x63: {  	_ =	shalt  }
0x64: {  	_ =	shalt  }
0x65: {  	_ =	shalt  }
0x66: {  	_ =	shalt  }
0x67: {  	_ =	shalt  }
0x68: {  	_ =	shalt  }
0x69: {  	_ =	shalt  }
0x6a: {  	_ =	shalt  }
0x6b: {  	_ =	shalt  }
0x6c: {  	_ =	shalt  }
0x6d: {  	_ =	shalt  }
0x6e: {  	_ =	shalt  }
0x6f: {  	_ =	shalt  }
0x70: {  	_ =	shalt  }
0x71: {  	_ =	shalt  }
0x72: {  	_ =	shalt  }
0x73: {  	_ =	shalt  }
0x74: {  	_ =	shalt  }
0x75: {  	_ =	shalt  }
0x76: {  	_ =	shalt  }
0x77: {  	_ =	shalt  }
0x78: {  	_ =	shalt  }
0x79: {  	_ =	shalt  }
0x7a: {  	_ =	shalt  }
0x7b: {  	_ =	shalt  }
0x7c: {  	_ =	shalt  }
0x7d: {  	_ =	shalt  }
0x7e: {  	_ =	shalt  }
0x7f: {  	_ =	shalt  }
0x80: {  	_ =	shalt  }
0x81: {  	_ =	shalt  }
0x82: {  	_ =	shalt  }
0x83: {  	_ =	shalt  }
0x84: {  	_ =	shalt  }
0x85: {  	_ =	shalt  }
0x86: {  	_ =	shalt  }
0x87: {  	_ =	shalt  }
.Lfunc_end0:
.L_simem_size_0:
called_computation.2_lowered:
.L_overlay_start_0:
0x88: {  	s2 =	sld [smem:$0x3FD9]  }
0x89: {  	s3 =	sld [smem:$0x3FFE];
	_ =	sdelay $0x1  }
0x8a: {  	s1 =	srdreg.scid  }
0x8b: {  	s0 =	sand.u32 $0x1, s1  }
0x8c: {  	s17 =	sshll.u32 s0, $0xA;
	s2 =	sadd.s32 s3, s2  }
0x8d: {  	s2 =	sadd.s32 s2, s17  }
0x8e: {  	[smem:$0x3FC2] =	sst s2  }
0x8f: {  	_ = 	snop  }
0x90: {  	s2 =	sld [smem:$0x3FD0];
	(tm) =	ssettm $0x1  }
0x91: {  	s18 =	sld [smem:$0x3FFB];
	_ =	sdelay $0x3  }
0x92: {  	_ =	strace s18  }
0x93: {  	s3 =	sld [smem:$0x3FFC];
	_ =	sdelay $0x3  }
0x94: {  	_ =	strace s3  }
0x95: {  	s3 =	sld [smem:$0x3FFD];
	_ =	sdelay $0x3  }
0x96: {  	_ =	strace s3  }
0x97: {  	_ =	strace $0x8FFFFFFF  }
0x98: {  	s19 =	sld [smem:$0x3FDB];
	_ =	sdelay $0x1  }
0x99: {  	s4 =	simm.s32 $_scs_section_size  }
0x9a: {  	s5 =	simm.s32 $_size__tile_overlayer_lowered;
	s6 =	simm.s32 $_tile_overlayer_lowered  }
0x9b: {  	s22 =	simm.s32 $0x1BFF;
	s21 =	sshll.u32 s6, $0x1;
	s3 =	sadd.s32 s4, s19  }
0x9c: {  	s7 =	simm.s32 $0x0;
	s20 =	sshll.u32 s5, $0x1;
	s5 =	sadd.s32 s21, s3  }
0x9d: {  	[timem:s7], [sflag:s22] =	dma.local [hbm:s5], s20  }
0x9e: {  	_ =	swait.ge [sflag:s22], s20  }
0x9f: {  	s4 =	ssub.s32 $0x0, s20;
	[sflag:s22] =	ssyncset.done $0x0  }
0xa0: {  	[sflag:s22] =	ssyncadd.s32 s4;
	_ =	sdelay $0x1  }
0xa1: {  	s23 =	simm.s32 $0x1B8B  }
0xa2: {  	_ =	swait.ge [sflag:s23], $0x1  }
0xa3: {  	[sflag:s23] =	ssyncset.done $0x0  }
0xa4: {  	s25 =	simm.s32 $0x1B8E;
	s24 =	sld [smem:$0x3FFE];
	[sflag:s23] =	ssyncadd.s32 $0xFFFFFFFF  }
0xa5: {  	s26 =	simm.s32 $execute0_lowered;
	[smem:$0x3FD2] =	sst s25  }
0xa6: {  	s5 =	sshll.u32 s26, $0x1;
	_ =	strace $0x8000004C;
	[dreg:$0x1] =	wrdreg $0xFFFFFFFF  }
0xa7: {  	s28 =	simm.s32 $_size_execute0_lowered;
	s3 =	sadd.s32 s3, s5;
	[dreg:$0x0] =	wrdreg $0x0  }
0xa8: {  	s5 =	sshll.u32 s28, $0x1;
	[dreg:$0x2] =	wrdreg s3  }
0xa9: {  	[dreg:$0x3] =	wrdreg s5  }
0xaa: {  	[dreg:$0x4] =	wrdreg $0xC0  }
0xab: {  	_ =	task [dreg:s7], $0x5FFFF  }
0xac: {  	[dreg:$0x1] =	wrdreg $0xFFFFFFFF  }
0xad: {  	[dreg:$0x0] =	wrdreg $0x60  }
0xae: {  	[dreg:$0x2] =	wrdreg s24  }
0xaf: {  	[dreg:$0x3] =	wrdreg s2  }
0xb0: {  	[dreg:$0x4] =	wrdreg $0xA8000  }
0xb1: {  	[dreg:$0x5] =	wrdreg $0x9  }
0xb2: {  	_ =	task.clear_ibuf [dreg:s7], $0x6FFFF;
	_ =	strace $0x9000004C  }
0xb3: {  	s29 =	simm.s32 $0x9;
	_ =	strace $0x8000004E  }
0xb4: {  	_ =	swait.ge [sflag:s29], $0x1  }
0xb5: {  	[sflag:s29] =	ssyncadd.s32 $0xFFFFFFFF  }
0xb6: {  	_ =	strace $0x9000004E  }
0xb7: {  	_ =	sfence  }
0xb8: {  	s30 =	sld [smem:$0x0];
	_ =	sdelay $0x2  }
0xb9: {  	s31 =	sshll.u32 s1, $0xD;
	s1 =	sshrl.u32 s1, $0x2  }
0xba: {  	s3 =	sand.u32 $0x4000, s31;
	s1 =	sadd.s32 s1, s30  }
0xbb: {  	s0 =	sor.u32 s3, s0;
	s1 =	sshll.u32 s1, $0x11  }
0xbc: {  	s0 =	sor.u32 s1, s0  }
0xbd: {  	s0 =	sadd.s32 $0x8F2B, s0  }
0xbe: {  	[sflag:s0] =	ssyncadd.remote.s32 $0x1  }
0xbf: {  	_ =	sfence.sel $0xFFFF  }
0xc0: {  	[dreg:$0x0] =	wrdreg $0xFFFFFFFF;
	(pc) =	sbr.abs _section_cstart, $3  }
0xc1: {  	[dreg:$0x1] =	wrdreg $0xFFFFFFFF  }
0xc2: {  	_ =	task.clear_ibuf [dreg:s7], $0x2FFFF;
	_ =	strace $0x9FFFFFFF  }
0xc3: {  	(tm) =	ssettm $0x7FFFFFFF  }
tec
execute0_lowered:
.L_overlay_start_1:
0x0: {  	(tag) =	ssettag $0x1  }
0x1: {  	s6 =	rddreg [dreg:$0x0]  }
0x2: {  	s11 =	rddreg [dreg:$0x1]  }
0x3: {  	s1 =	rddreg [dreg:$0x2];
	s2 =	srdreg.scid  }
0x4: {  	s0 =	rddreg [dreg:$0x3];
	s3 =	simm.s32 $0x0;
	s15 =	simm.s32 $0x1400  }
0x5: {  	s16 =	simm.s32 $0x80;
	s17 =	simm.s32 $0x2800;
	s18 =	simm.s32 $0x6800  }
0x6: {  	s19 =	simm.s32 $0x1;
	s20 =	simm.s32 $0x2;
	s21 =	simm.s32 $0x0  }
0x7: {  	s7 =	sand.u32 $0x1, s2;
	s2 =	stileid.u32;
	[smem:$0x7FF] =	sst s3  }
0x8: {  	s4 =	sadd.s32 $0xC800, s6;
	s12 =	sadd.s32 $0x2800, s6;
	s8 =	smul.u32 $0x140000, s7  }
0x9: {  	s5 =	sadd.s32 $0x34800, s6;
	s9 =	smul.u32 $0x14000, s2;
	_ =	strace $0x8000004D  }
0xa: {  	s26 =	sshll.u32 s2, $0x1;
	s10 =	smul.u32 $0x50000, s2;
	s28 =	ssub.s32 $0x2, s7  }
0xb: {  	s30 =	sshll.u32 s2, $0x6;
	s7 =	sor.u32 s7, s26;
	s29 =	sshrl.u32 s28, $0x1  }
0xc: {  	s8 =	sadd.s32 s9, s8;
	s10 =	sshrl.u32 s10, $0x2;
	s13 =	smul.u32 $0x2800, s7  }
0xd: {  	s9 =	ssub.s32 s28, s29;
	s8 =	sshrl.u32 s8, $0x3;
	s14 =	sadd.s32 s10, s1  }
0xe: {  	s8 =	sadd.s32 s8, s6;
	s6 =	sor.u32 $0x1C03, s30;
	s31 =	sshrl.u32 s13, $0x3  }
0xf: {  	s7 =	sadd.s32 $0x37000, s8;
	s8 =	smax.u32 s9, $0x1;
	s13 =	sadd.s32 $0x280, s31  }
0x10: {  	s9 =	sadd.s32 s11, s31;
	s10 =	sadd.s32 s12, s31;
	s11 =	sadd.s32 s11, s13  }
0x11: {  	s12 =	sadd.s32 s12, s13;
	s13 =	sshrl.u32 s14, $0x3;
	s14 =	simm.s32 $0x3  }
.LBB2_1:
0x12: {  	[spmem:s13], [sflag:s6] =	dma.local [hbm:s5], $0x2800  }
0x13: {  	_ =	swait.ge [sflag:s14], $0x2800  }
0x14: {  	[sflag:s14] =	ssyncset.done $0x0  }
0x15: {  	[sflag:s14] =	ssyncadd.s32 $0xFFFFD800  }
0x16: {  	[bflag:$0x0] =	sbarrier.arrive $0xFFFF  }
0x17: {  	[tilespmem:s3], [sflag:$0x3] =	stream.linear.gather [hbm4b:s9+s3], $0x1400, $0x38;
	[tilespmem:$0x1E800] =	vst v63  }
0x18: {  	_ =	swait.ge [sflag:s14], $0x1400  }
0x19: {  	[sflag:s14] =	ssyncset.done $0x0  }
0x1a: {  	[sflag:s14] =	ssyncadd.s32 $0xFFFFEC00  }
0x1b: {  	[tilespmem:s15], [sflag:$0x3] =	stream.linear.gather [hbm4b:s10+s3], $0x1400, $0x38;
	[tilespmem:$0x1E800] =	vst v63  }
0x1c: {  	_ =	swait.ge [sflag:s14], $0x1400  }
0x1d: {  	[sflag:s14] =	ssyncset.done $0x0  }
0x1e: {  	[sflag:s14] =	ssyncadd.s32 $0xFFFFEC00  }
0x1f: {  	[tilespmem:s17], [sflag:$0x1] =	stream.indirect.gather [hbm4b:s4+s16], $0x80, s3, s16, $0xb8;
	[tilespmem:$0x1E800] =	vst v63  }
0x20: {  	s22 =	simm.s32 $0x80  }
0x21: {  	[tilespmem:s18], [sflag:$0x2] =	stream.indirect.gather [hbm4b:s4+s16], $0x80, s22, s16, $0xb8;
	[tilespmem:$0x1E800] =	vst v63  }
0x22: {  	_ =	swait.ge [sflag:s19], $0x4000  }
0x23: {  	[sflag:s19] =	ssyncset.done $0x0  }
0x24: {  	s25 =	simm.s32 $0x1400;
	[sflag:s19] =	ssyncadd.s32 $0xFFFFC000  }
0x25: {  	[spmem:s1] =	stream.indirect.scatter.add.f32 [tilespmem:s17], [sflag:$0x3], $0x80, s25, s16, $0xb8;
	[tilespmem:$0x1E800] =	vst v63  }
0x26: {  	_ =	swait.ge [sflag:s14], $0x4000  }
0x27: {  	[sflag:s14] =	ssyncset.done $0x0  }
0x28: {  	s26 =	simm.s32 $0x100;
	[sflag:s14] =	ssyncadd.s32 $0xFFFFC000  }
0x29: {  	[tilespmem:s17], [sflag:$0x1] =	stream.indirect.gather [hbm4b:s4+s16], $0x80, s26, s16, $0xb8;
	[tilespmem:$0x1E800] =	vst v63  }
0x2a: {  	_ =	swait.ge [sflag:s20], $0x4000  }
0x2b: {  	[sflag:s20] =	ssyncset.done $0x0  }
0x2c: {  	s28 =	simm.s32 $0x1480;
	[sflag:s20] =	ssyncadd.s32 $0xFFFFC000  }
0x2d: {  	[spmem:s1] =	stream.indirect.scatter.add.f32 [tilespmem:s18], [sflag:$0x3], $0x80, s28, s16, $0xb8;
	[tilespmem:$0x1E800] =	vst v63  }
0x2e: {  	_ =	swait.ge [sflag:s14], $0x4000  }
0x2f: {  	[sflag:s14] =	ssyncset.done $0x0  }
0x30: {  	s29 =	simm.s32 $0x180;
	[sflag:s14] =	ssyncadd.s32 $0xFFFFC000  }
0x31: {  	[tilespmem:s18], [sflag:$0x2] =	stream.indirect.gather [hbm4b:s4+s16], $0x80, s29, s16, $0xb8;
	[tilespmem:$0x1E800] =	vst v63  }
0x32: {  	_ =	swait.ge [sflag:s19], $0x4000  }
0x33: {  	[sflag:s19] =	ssyncset.done $0x0  }
0x34: {  	s30 =	simm.s32 $0x1500;
	[sflag:s19] =	ssyncadd.s32 $0xFFFFC000  }
0x35: {  	[spmem:s1] =	stream.indirect.scatter.add.f32 [tilespmem:s17], [sflag:$0x3], $0x80, s30, s16, $0xb8;
	[tilespmem:$0x1E800] =	vst v63  }
0x36: {  	p0 =	por $0x0, $0x0;
	_ =	swait.ge [sflag:s14], $0x4000  }
0x37: {  	s23 =	simm.s32 @!p0 $0x200;
	[sflag:s14] =	ssyncset.done $0x0  }
0x38: {  	s24 =	simm.s32 @!p0 $0x80;
	s22 =	simm.s32 @!p0 $0x2800;
	[sflag:s14] =	ssyncadd.s32 $0xFFFFC000  }
0x39: {  	[tilespmem:s22], [sflag:$0x1] =	stream.indirect.gather @!p0 [hbm4b:s4+s24], $0x80, s23, s24, $0xb8;
	[tilespmem:$0x1E800] =	vst v63  }
0x3a: {  	_ =	swait.ge [sflag:s20], $0x4000  }
0x3b: {  	[sflag:s20] =	ssyncset.done $0x0  }
0x3c: {  	s31 =	simm.s32 $0x1580;
	[sflag:s20] =	ssyncadd.s32 $0xFFFFC000  }
0x3d: {  	[spmem:s1] =	stream.indirect.scatter.add.f32 [tilespmem:s18], [sflag:$0x3], $0x80, s31, s16, $0xb8;
	[tilespmem:$0x1E800] =	vst v63  }
0x3e: {  	s26 =	simm.s32 $0x4;
	s23 =	simm.s32 $0x2;
	_ =	swait.ge [sflag:s14], $0x4000  }
0x3f: {  	s24 =	simm.s32 $0x800;
	s22 =	simm.s32 $0x200;
	[sflag:s14] =	ssyncset.done $0x0  }
.LBB2_2:
0x40: {  	s28 =	sadd.s32 $0x80, s22  }
0x41: {  	[sflag:s14] =	ssyncadd.s32 $0xFFFFC000;
	s29 =	smov.u32 s26;
	s25 =	sadd.s32 $0x2, s26  }
0x42: {  	[tilespmem:s18], [sflag:$0x2] =	stream.indirect.gather [hbm4b:s4+s16], $0x80, s28, s16, $0xb8;
	[tilespmem:$0x1E800] =	vst v63  }
0x43: {  	p0 =	slt.u32 s26, $0x12;
	_ =	swait.ge [sflag:s19], $0x4000  }
0x44: {  	[sflag:s19] =	ssyncset.done $0x0  }
0x45: {  	s26 =	sadd.s32 $0x1400, s22;
	[sflag:s19] =	ssyncadd.s32 $0xFFFFC000  }
0x46: {  	[spmem:s1] =	stream.indirect.scatter.add.f32 [tilespmem:s17], [sflag:$0x3], $0x80, s26, s16, $0xb8;
	[tilespmem:$0x1E800] =	vst v63  }
0x47: {  	_ =	swait.ge [sflag:s14], $0x4000  }
0x48: {  	[sflag:s14] =	ssyncset.done $0x0  }
0x49: {  	s26 =	sadd.s32 $0x100, s22;
	[sflag:s14] =	ssyncadd.s32 $0xFFFFC000  }
0x4a: {  	[tilespmem:s17], [sflag:$0x1] =	stream.indirect.gather [hbm4b:s4+s16], $0x80, s26, s16, $0xb8;
	[tilespmem:$0x1E800] =	vst v63  }
0x4b: {  	_ =	swait.ge [sflag:s20], $0x4000  }
0x4c: {  	[sflag:s20] =	ssyncset.done $0x0  }
0x4d: {  	s26 =	sadd.s32 $0x1480, s22;
	[sflag:s20] =	ssyncadd.s32 $0xFFFFC000  }
0x4e: {  	[spmem:s1] =	stream.indirect.scatter.add.f32 [tilespmem:s18], [sflag:$0x3], $0x80, s26, s16, $0xb8;
	[tilespmem:$0x1E800] =	vst v63  }
0x4f: {  	_ =	swait.ge [sflag:s14], $0x4000  }
0x50: {  	[sflag:s14] =	ssyncset.done $0x0  }
0x51: {  	s26 =	sadd.s32 $0x180, s22;
	[sflag:s14] =	ssyncadd.s32 $0xFFFFC000  }
0x52: {  	[tilespmem:s18], [sflag:$0x2] =	stream.indirect.gather [hbm4b:s4+s16], $0x80, s26, s16, $0xb8;
	[tilespmem:$0x1E800] =	vst v63  }
0x53: {  	_ =	swait.ge [sflag:s19], $0x4000  }
0x54: {  	[sflag:s19] =	ssyncset.done $0x0  }
0x55: {  	s26 =	sadd.s32 $0x1500, s22;
	[sflag:s19] =	ssyncadd.s32 $0xFFFFC000  }
0x56: {  	[spmem:s1] =	stream.indirect.scatter.add.f32 [tilespmem:s17], [sflag:$0x3], $0x80, s26, s16, $0xb8;
	[tilespmem:$0x1E800] =	vst v63  }
0x57: {  	p1 =	sgt.u32 s23, $0x11;
	s23 =	smov.u32 s29;
	_ =	swait.ge [sflag:s14], $0x4000  }
0x58: {  	s28 =	simm.s32 @!p1 $0x2800;
	s26 =	sshra.s32 @!p1 s24, $0x2;
	[sflag:s14] =	ssyncset.done $0x0  }
0x59: {  	s29 =	simm.s32 @!p1 $0x80;
	s26 =	sadd.s32 @!p1 $0x200, s26;
	[sflag:s14] =	ssyncadd.s32 $0xFFFFC000  }
0x5a: {  	[tilespmem:s28], [sflag:$0x1] =	stream.indirect.gather @!p1 [hbm4b:s4+s29], $0x80, s26, s29, $0xb8;
	[tilespmem:$0x1E800] =	vst v63  }
0x5b: {  	_ =	swait.ge [sflag:s20], $0x4000  }
.Ltmp0:
0x5c: {  	[sflag:s20] =	ssyncset.done $0x0;
	(pc) =	sbr.rel @p0 .LBB2_2-.Ltmp0, $4  }
0x5d: {  	s22 =	sadd.s32 $0x1580, s22;
	[sflag:s20] =	ssyncadd.s32 $0xFFFFC000  }
0x5e: {  	[spmem:s1] =	stream.indirect.scatter.add.f32 [tilespmem:s18], [sflag:$0x3], $0x80, s22, s16, $0xb8;
	[tilespmem:$0x1E800] =	vst v63  }
0x5f: {  	s24 =	sadd.s32 $0x800, s24;
	_ =	swait.ge [sflag:s14], $0x4000  }
0x60: {  	s26 =	smov.u32 s25;
	s22 =	sshra.s32 s24, $0x2;
	[sflag:s14] =	ssyncset.done $0x0  }
0x61: {  	s25 =	sadd.s32 $0x80, s22;
	[sflag:s14] =	ssyncadd.s32 $0xFFFFC000  }
0x62: {  	[tilespmem:s18], [sflag:$0x2] =	stream.indirect.gather [hbm4b:s4+s16], $0x80, s25, s16, $0xb8;
	[tilespmem:$0x1E800] =	vst v63  }
0x63: {  	_ =	swait.ge [sflag:s19], $0x4000  }
0x64: {  	[sflag:s19] =	ssyncset.done $0x0  }
0x65: {  	s31 =	sadd.s32 $0x1400, s22;
	[sflag:s19] =	ssyncadd.s32 $0xFFFFC000  }
0x66: {  	[spmem:s1] =	stream.indirect.scatter.add.f32 [tilespmem:s17], [sflag:$0x3], $0x80, s31, s16, $0xb8;
	[tilespmem:$0x1E800] =	vst v63  }
0x67: {  	_ =	swait.ge [sflag:s14], $0x4000  }
0x68: {  	[sflag:s14] =	ssyncset.done $0x0  }
0x69: {  	s26 =	sadd.s32 $0x100, s22;
	[sflag:s14] =	ssyncadd.s32 $0xFFFFC000  }
0x6a: {  	[tilespmem:s17], [sflag:$0x1] =	stream.indirect.gather [hbm4b:s4+s16], $0x80, s26, s16, $0xb8;
	[tilespmem:$0x1E800] =	vst v63  }
0x6b: {  	_ =	swait.ge [sflag:s20], $0x4000  }
0x6c: {  	[sflag:s20] =	ssyncset.done $0x0  }
0x6d: {  	s28 =	sadd.s32 $0x1480, s22;
	[sflag:s20] =	ssyncadd.s32 $0xFFFFC000  }
0x6e: {  	[spmem:s1] =	stream.indirect.scatter.add.f32 [tilespmem:s18], [sflag:$0x3], $0x80, s28, s16, $0xb8;
	[tilespmem:$0x1E800] =	vst v63  }
0x6f: {  	_ =	swait.ge [sflag:s14], $0x4000  }
0x70: {  	[sflag:s14] =	ssyncset.done $0x0  }
0x71: {  	s29 =	sadd.s32 $0x180, s22;
	[sflag:s14] =	ssyncadd.s32 $0xFFFFC000  }
0x72: {  	[tilespmem:s18], [sflag:$0x2] =	stream.indirect.gather [hbm4b:s4+s16], $0x80, s29, s16, $0xb8;
	[tilespmem:$0x1E800] =	vst v63  }
0x73: {  	_ =	swait.ge [sflag:s19], $0x4000  }
0x74: {  	[sflag:s19] =	ssyncset.done $0x0  }
0x75: {  	s30 =	sadd.s32 $0x1500, s22;
	[sflag:s19] =	ssyncadd.s32 $0xFFFFC000  }
0x76: {  	[spmem:s1] =	stream.indirect.scatter.add.f32 [tilespmem:s17], [sflag:$0x3], $0x80, s30, s16, $0xb8;
	[tilespmem:$0x1E800] =	vst v63  }
0x77: {  	p0 =	sgt.u32 s23, $0x11;
	_ =	swait.ge [sflag:s14], $0x4000  }
0x78: {  	s23 =	sshra.s32 @!p0 s24, $0x2;
	s24 =	simm.s32 @!p0 $0x2800;
	[sflag:s14] =	ssyncset.done $0x0  }
0x79: {  	s25 =	simm.s32 @!p0 $0x80;
	s23 =	sadd.s32 @!p0 $0x200, s23;
	[sflag:s14] =	ssyncadd.s32 $0xFFFFC000  }
0x7a: {  	[tilespmem:s24], [sflag:$0x1] =	stream.indirect.gather @!p0 [hbm4b:s4+s25], $0x80, s23, s25, $0xb8;
	[tilespmem:$0x1E800] =	vst v63  }
0x7b: {  	_ =	swait.ge [sflag:s20], $0x4000  }
0x7c: {  	[sflag:s20] =	ssyncset.done $0x0  }
0x7d: {  	s31 =	sadd.s32 $0x1580, s22;
	[sflag:s20] =	ssyncadd.s32 $0xFFFFC000  }
0x7e: {  	[spmem:s1] =	stream.indirect.scatter.add.f32 [tilespmem:s18], [sflag:$0x3], $0x80, s31, s16, $0xb8;
	[tilespmem:$0x1E800] =	vst v63  }
0x7f: {  	_ =	swait.ge [sflag:s14], $0x4000  }
0x80: {  	[sflag:s14] =	ssyncset.done $0x0  }
0x81: {  	s23 =	simm.s32 $0x0;
	[sflag:s14] =	ssyncadd.s32 $0xFFFFC000  }
0x82: {  	[tilespmem:s23], [sflag:$0x3] =	stream.linear.gather [hbm4b:s11+s23], $0x1400, $0x38;
	[tilespmem:$0x1E800] =	vst v63  }
0x83: {  	_ =	swait.ge [sflag:s14], $0x1400  }
0x84: {  	[sflag:s14] =	ssyncset.done $0x0  }
0x85: {  	[sflag:s14] =	ssyncadd.s32 $0xFFFFEC00  }
0x86: {  	[tilespmem:s15], [sflag:$0x3] =	stream.linear.gather [hbm4b:s12+s23], $0x1400, $0x38;
	[tilespmem:$0x1E800] =	vst v63  }
0x87: {  	_ =	swait.ge [sflag:s14], $0x1400  }
0x88: {  	[sflag:s14] =	ssyncset.done $0x0  }
0x89: {  	[sflag:s14] =	ssyncadd.s32 $0xFFFFEC00  }
0x8a: {  	[tilespmem:s17], [sflag:$0x1] =	stream.indirect.gather [hbm4b:s4+s16], $0x80, s23, s16, $0xb8;
	[tilespmem:$0x1E800] =	vst v63  }
0x8b: {  	s24 =	simm.s32 $0x80  }
0x8c: {  	[tilespmem:s18], [sflag:$0x2] =	stream.indirect.gather [hbm4b:s4+s16], $0x80, s24, s16, $0xb8;
	[tilespmem:$0x1E800] =	vst v63  }
0x8d: {  	_ =	swait.ge [sflag:s19], $0x4000  }
0x8e: {  	[sflag:s19] =	ssyncset.done $0x0  }
0x8f: {  	s25 =	simm.s32 $0x1400;
	[sflag:s19] =	ssyncadd.s32 $0xFFFFC000  }
0x90: {  	[spmem:s1] =	stream.indirect.scatter.add.f32 [tilespmem:s17], [sflag:$0x3], $0x80, s25, s16, $0xb8;
	[tilespmem:$0x1E800] =	vst v63  }
0x91: {  	_ =	swait.ge [sflag:s14], $0x4000  }
0x92: {  	[sflag:s14] =	ssyncset.done $0x0  }
0x93: {  	s26 =	simm.s32 $0x100;
	[sflag:s14] =	ssyncadd.s32 $0xFFFFC000  }
0x94: {  	[tilespmem:s17], [sflag:$0x1] =	stream.indirect.gather [hbm4b:s4+s16], $0x80, s26, s16, $0xb8;
	[tilespmem:$0x1E800] =	vst v63  }
0x95: {  	_ =	swait.ge [sflag:s20], $0x4000  }
0x96: {  	[sflag:s20] =	ssyncset.done $0x0  }
0x97: {  	s28 =	simm.s32 $0x1480;
	[sflag:s20] =	ssyncadd.s32 $0xFFFFC000  }
0x98: {  	[spmem:s1] =	stream.indirect.scatter.add.f32 [tilespmem:s18], [sflag:$0x3], $0x80, s28, s16, $0xb8;
	[tilespmem:$0x1E800] =	vst v63  }
0x99: {  	_ =	swait.ge [sflag:s14], $0x4000  }
0x9a: {  	[sflag:s14] =	ssyncset.done $0x0  }
0x9b: {  	s29 =	simm.s32 $0x180;
	[sflag:s14] =	ssyncadd.s32 $0xFFFFC000  }
0x9c: {  	[tilespmem:s18], [sflag:$0x2] =	stream.indirect.gather [hbm4b:s4+s16], $0x80, s29, s16, $0xb8;
	[tilespmem:$0x1E800] =	vst v63  }
0x9d: {  	_ =	swait.ge [sflag:s19], $0x4000  }
0x9e: {  	[sflag:s19] =	ssyncset.done $0x0  }
0x9f: {  	s30 =	simm.s32 $0x1500;
	[sflag:s19] =	ssyncadd.s32 $0xFFFFC000  }
0xa0: {  	[spmem:s1] =	stream.indirect.scatter.add.f32 [tilespmem:s17], [sflag:$0x3], $0x80, s30, s16, $0xb8;
	[tilespmem:$0x1E800] =	vst v63  }
0xa1: {  	p0 =	por $0x0, $0x0;
	_ =	swait.ge [sflag:s14], $0x4000  }
0xa2: {  	s22 =	simm.s32 @!p0 $0x2800;
	[sflag:s14] =	ssyncset.done $0x0  }
0xa3: {  	s23 =	simm.s32 @!p0 $0x200;
	s24 =	simm.s32 @!p0 $0x80;
	[sflag:s14] =	ssyncadd.s32 $0xFFFFC000  }
0xa4: {  	[tilespmem:s22], [sflag:$0x1] =	stream.indirect.gather @!p0 [hbm4b:s4+s24], $0x80, s23, s24, $0xb8;
	[tilespmem:$0x1E800] =	vst v63  }
0xa5: {  	_ =	swait.ge [sflag:s20], $0x4000  }
0xa6: {  	[sflag:s20] =	ssyncset.done $0x0  }
0xa7: {  	s31 =	simm.s32 $0x1580;
	[sflag:s20] =	ssyncadd.s32 $0xFFFFC000  }
0xa8: {  	[spmem:s1] =	stream.indirect.scatter.add.f32 [tilespmem:s18], [sflag:$0x3], $0x80, s31, s16, $0xb8;
	[tilespmem:$0x1E800] =	vst v63  }
0xa9: {  	s26 =	simm.s32 $0x4;
	s23 =	simm.s32 $0x2;
	_ =	swait.ge [sflag:s14], $0x4000  }
0xaa: {  	s24 =	simm.s32 $0x800;
	s22 =	simm.s32 $0x200;
	[sflag:s14] =	ssyncset.done $0x0  }
.LBB2_4:
0xab: {  	s28 =	sadd.s32 $0x80, s22  }
0xac: {  	[sflag:s14] =	ssyncadd.s32 $0xFFFFC000;
	s29 =	smov.u32 s26;
	s25 =	sadd.s32 $0x2, s26  }
0xad: {  	[tilespmem:s18], [sflag:$0x2] =	stream.indirect.gather [hbm4b:s4+s16], $0x80, s28, s16, $0xb8;
	[tilespmem:$0x1E800] =	vst v63  }
0xae: {  	p0 =	slt.u32 s26, $0x12;
	_ =	swait.ge [sflag:s19], $0x4000  }
0xaf: {  	[sflag:s19] =	ssyncset.done $0x0  }
0xb0: {  	s26 =	sadd.s32 $0x1400, s22;
	[sflag:s19] =	ssyncadd.s32 $0xFFFFC000  }
0xb1: {  	[spmem:s1] =	stream.indirect.scatter.add.f32 [tilespmem:s17], [sflag:$0x3], $0x80, s26, s16, $0xb8;
	[tilespmem:$0x1E800] =	vst v63  }
0xb2: {  	_ =	swait.ge [sflag:s14], $0x4000  }
0xb3: {  	[sflag:s14] =	ssyncset.done $0x0  }
0xb4: {  	s26 =	sadd.s32 $0x100, s22;
	[sflag:s14] =	ssyncadd.s32 $0xFFFFC000  }
0xb5: {  	[tilespmem:s17], [sflag:$0x1] =	stream.indirect.gather [hbm4b:s4+s16], $0x80, s26, s16, $0xb8;
	[tilespmem:$0x1E800] =	vst v63  }
0xb6: {  	_ =	swait.ge [sflag:s20], $0x4000  }
0xb7: {  	[sflag:s20] =	ssyncset.done $0x0  }
0xb8: {  	s26 =	sadd.s32 $0x1480, s22;
	[sflag:s20] =	ssyncadd.s32 $0xFFFFC000  }
0xb9: {  	[spmem:s1] =	stream.indirect.scatter.add.f32 [tilespmem:s18], [sflag:$0x3], $0x80, s26, s16, $0xb8;
	[tilespmem:$0x1E800] =	vst v63  }
0xba: {  	_ =	swait.ge [sflag:s14], $0x4000  }
0xbb: {  	[sflag:s14] =	ssyncset.done $0x0  }
0xbc: {  	s26 =	sadd.s32 $0x180, s22;
	[sflag:s14] =	ssyncadd.s32 $0xFFFFC000  }
0xbd: {  	[tilespmem:s18], [sflag:$0x2] =	stream.indirect.gather [hbm4b:s4+s16], $0x80, s26, s16, $0xb8;
	[tilespmem:$0x1E800] =	vst v63  }
0xbe: {  	_ =	swait.ge [sflag:s19], $0x4000  }
0xbf: {  	[sflag:s19] =	ssyncset.done $0x0  }
0xc0: {  	s26 =	sadd.s32 $0x1500, s22;
	[sflag:s19] =	ssyncadd.s32 $0xFFFFC000  }
0xc1: {  	[spmem:s1] =	stream.indirect.scatter.add.f32 [tilespmem:s17], [sflag:$0x3], $0x80, s26, s16, $0xb8;
	[tilespmem:$0x1E800] =	vst v63  }
0xc2: {  	p1 =	sgt.u32 s23, $0x11;
	s23 =	smov.u32 s29;
	_ =	swait.ge [sflag:s14], $0x4000  }
0xc3: {  	s28 =	simm.s32 @!p1 $0x2800;
	s26 =	sshra.s32 @!p1 s24, $0x2;
	[sflag:s14] =	ssyncset.done $0x0  }
0xc4: {  	s29 =	simm.s32 @!p1 $0x80;
	s26 =	sadd.s32 @!p1 $0x200, s26;
	[sflag:s14] =	ssyncadd.s32 $0xFFFFC000  }
0xc5: {  	[tilespmem:s28], [sflag:$0x1] =	stream.indirect.gather @!p1 [hbm4b:s4+s29], $0x80, s26, s29, $0xb8;
	[tilespmem:$0x1E800] =	vst v63  }
0xc6: {  	_ =	swait.ge [sflag:s20], $0x4000  }
.Ltmp1:
0xc7: {  	[sflag:s20] =	ssyncset.done $0x0;
	(pc) =	sbr.rel @p0 .LBB2_4-.Ltmp1, $4  }
0xc8: {  	s22 =	sadd.s32 $0x1580, s22;
	[sflag:s20] =	ssyncadd.s32 $0xFFFFC000  }
0xc9: {  	[spmem:s1] =	stream.indirect.scatter.add.f32 [tilespmem:s18], [sflag:$0x3], $0x80, s22, s16, $0xb8;
	[tilespmem:$0x1E800] =	vst v63  }
0xca: {  	s24 =	sadd.s32 $0x800, s24;
	_ =	swait.ge [sflag:s14], $0x4000  }
0xcb: {  	s26 =	smov.u32 s25;
	s22 =	sshra.s32 s24, $0x2;
	[sflag:s14] =	ssyncset.done $0x0  }
0xcc: {  	s25 =	sadd.s32 $0x80, s22;
	[sflag:s14] =	ssyncadd.s32 $0xFFFFC000  }
0xcd: {  	[tilespmem:s18], [sflag:$0x2] =	stream.indirect.gather [hbm4b:s4+s16], $0x80, s25, s16, $0xb8;
	[tilespmem:$0x1E800] =	vst v63  }
0xce: {  	_ =	swait.ge [sflag:s19], $0x4000  }
0xcf: {  	[sflag:s19] =	ssyncset.done $0x0  }
0xd0: {  	s31 =	sadd.s32 $0x1400, s22;
	[sflag:s19] =	ssyncadd.s32 $0xFFFFC000  }
0xd1: {  	[spmem:s1] =	stream.indirect.scatter.add.f32 [tilespmem:s17], [sflag:$0x3], $0x80, s31, s16, $0xb8;
	[tilespmem:$0x1E800] =	vst v63  }
0xd2: {  	_ =	swait.ge [sflag:s14], $0x4000  }
0xd3: {  	[sflag:s14] =	ssyncset.done $0x0  }
0xd4: {  	s26 =	sadd.s32 $0x100, s22;
	[sflag:s14] =	ssyncadd.s32 $0xFFFFC000  }
0xd5: {  	[tilespmem:s17], [sflag:$0x1] =	stream.indirect.gather [hbm4b:s4+s16], $0x80, s26, s16, $0xb8;
	[tilespmem:$0x1E800] =	vst v63  }
0xd6: {  	_ =	swait.ge [sflag:s20], $0x4000  }
0xd7: {  	[sflag:s20] =	ssyncset.done $0x0  }
0xd8: {  	s28 =	sadd.s32 $0x1480, s22;
	[sflag:s20] =	ssyncadd.s32 $0xFFFFC000  }
0xd9: {  	[spmem:s1] =	stream.indirect.scatter.add.f32 [tilespmem:s18], [sflag:$0x3], $0x80, s28, s16, $0xb8;
	[tilespmem:$0x1E800] =	vst v63  }
0xda: {  	_ =	swait.ge [sflag:s14], $0x4000  }
0xdb: {  	[sflag:s14] =	ssyncset.done $0x0  }
0xdc: {  	s29 =	sadd.s32 $0x180, s22;
	[sflag:s14] =	ssyncadd.s32 $0xFFFFC000  }
0xdd: {  	[tilespmem:s18], [sflag:$0x2] =	stream.indirect.gather [hbm4b:s4+s16], $0x80, s29, s16, $0xb8;
	[tilespmem:$0x1E800] =	vst v63  }
0xde: {  	_ =	swait.ge [sflag:s19], $0x4000  }
0xdf: {  	[sflag:s19] =	ssyncset.done $0x0  }
0xe0: {  	s30 =	sadd.s32 $0x1500, s22;
	[sflag:s19] =	ssyncadd.s32 $0xFFFFC000  }
0xe1: {  	[spmem:s1] =	stream.indirect.scatter.add.f32 [tilespmem:s17], [sflag:$0x3], $0x80, s30, s16, $0xb8;
	[tilespmem:$0x1E800] =	vst v63  }
0xe2: {  	p0 =	sgt.u32 s23, $0x11;
	_ =	swait.ge [sflag:s14], $0x4000  }
0xe3: {  	s23 =	sshra.s32 @!p0 s24, $0x2;
	s24 =	simm.s32 @!p0 $0x2800;
	[sflag:s14] =	ssyncset.done $0x0  }
0xe4: {  	s25 =	simm.s32 @!p0 $0x80;
	s23 =	sadd.s32 @!p0 $0x200, s23;
	[sflag:s14] =	ssyncadd.s32 $0xFFFFC000  }
0xe5: {  	[tilespmem:s24], [sflag:$0x1] =	stream.indirect.gather @!p0 [hbm4b:s4+s25], $0x80, s23, s25, $0xb8;
	[tilespmem:$0x1E800] =	vst v63  }
0xe6: {  	_ =	swait.ge [sflag:s20], $0x4000  }
0xe7: {  	[sflag:s20] =	ssyncset.done $0x0  }
0xe8: {  	s31 =	sadd.s32 $0x1580, s22;
	[sflag:s20] =	ssyncadd.s32 $0xFFFFC000  }
0xe9: {  	[spmem:s1] =	stream.indirect.scatter.add.f32 [tilespmem:s18], [sflag:$0x3], $0x80, s31, s16, $0xb8;
	[tilespmem:$0x1E800] =	vst v63  }
0xea: {  	_ =	swait.ge [sflag:s14], $0x4000  }
0xeb: {  	s21 =	sadd.s32 $0x1, s21;
	[sflag:s14] =	ssyncset.done $0x0  }
0xec: {  	p0 =	sne.s32 s21, s8;
	[sflag:s14] =	ssyncadd.s32 $0xFFFFC000  }
.Ltmp2:
0xed: {  	[bflag:$0x0] =	sbarrier.arrive $0xFFFF;
	(pc) =	sbr.rel @p0 .LBB2_1-.Ltmp2, $4  }
0xee: {  	[hbm:s7], [sflag:s6] =	dma.local [spmem:s13], $0x2800  }
0xef: {  	_ =	swait.ge [sflag:s14], $0x2800  }
0xf0: {  	[sflag:s14] =	ssyncset.done $0x0  }
0xf1: {  	[sflag:s14] =	ssyncadd.s32 $0xFFFFD800  }
0xf2: {  	_ =	sfence.sel $0x180000  }
0xf3: {  	[bflag:$0x0] =	sbarrier.arrive $0xFFFF  }
0xf4: {  	p0 =	sne.s32 s2, $0x0;
	_ =	strace $0x9000004D  }
0xf5: {  	s0 =	sadd.s32 @!p0 $0x100000, s0;
	[bflag:$0x2] =	sbarrier.arrive $0xFFFF  }
0xf6: {  	[sflag:s0] =	ssyncadd.tile.s32 @!p0 $0x1;
	_ =	shalt  }
.Lfunc_end2:
_tile_overlayer_lowered:
.L_overlay_start_2:
0xf7: {  	(tag) =	ssettag $0x2  }
0xf8: {  	s0 =	rddreg [dreg:$0x0];
	s2 =	stileid.u32  }
0xf9: {  	s1 =	rddreg [dreg:$0x1];
	p0 =	sne.s32 s2, $0x0  }
0xfa: {  	s3 =	rddreg [dreg:$0x2];
	[bflag:$0x3] =	sbarrier.arrive $0xFFFF;
	s2 =	simm.s32 @!p0 $0x1C03  }
0xfb: {  	[timem:s3], [sflag:s2] =	dma.local @!p0 [hbm:s0], s1  }
0xfc: {  	s0 =	simm.s32 @!p0 $0x3  }
0xfd: {  	_ =	swait.ge @!p0 [sflag:s0], s1  }
0xfe: {  	s1 =	ssub.s32 @!p0 $0x0, s1;
	[sflag:s0] =	ssyncset.done @!p0 $0x0  }
0xff: {  	[sflag:s0] =	ssyncadd.s32 @!p0 s1  }
0x100: {  	[bflag:$0x3] =	sbarrier.arrive $0xFFFF  }
0x101: {  	_ =	shalt  }

// kernel: kernel.9.cloned.1.call-start
scs
__scs_entry_jumppad:
0x0: {  	(pc) =	sbr.rel $0x88, $3  }
0x1: {  	(tag) =	ssettag $0x0;
	lr =	simm.s32 $0x1  }
0x2: {  	[smem:$0x3F9B] =	sst lr;
	_ =	strace $0xD0000000  }
0x3: {  	_ = 	snop  }
0x4: {  	_ = 	snop  }
0x5: {  	_ = 	snop  }
0x6: {  	_ = 	snop  }
0x7: {  	_ = 	snop  }
__scs_overlays_trampoline_lowered:
0x8: {  	[smem:$0x3FAA] =	sst s0  }
0x9: {  	[smem:$0x3FAB] =	sst s1  }
0xa: {  	[smem:$0x3FAC] =	sst s2  }
0xb: {  	[smem:$0x3FAD] =	sst s3  }
0xc: {  	[smem:$0x3FAE] =	sst s4  }
0xd: {  	[smem:$0x3FAF] =	sst s5  }
0xe: {  	[smem:$0x3FB0] =	sst s6  }
0xf: {  	[smem:$0x3FB1] =	sst s7  }
0x10: {  	[smem:$0x3FB2] =	sst s8  }
0x11: {  	[smem:$0x3FB3] =	sst s9;
	s0 =	simm.s32 @!p0 $0x0  }
0x12: {  	s1 =	sld [smem:$0x3F99];
	s0 =	simm.s32 @p0 $0x1  }
0x13: {  	[smem:$0x3FB4] =	sst s0;
	s0 =	simm.s32 @!p1 $0x0  }
0x14: {  	s2 =	sld [smem:$0x3F98];
	s0 =	simm.s32 @p1 $0x1  }
0x15: {  	[smem:$0x3FB5] =	sst s0;
	s0 =	simm.s32 @!p2 $0x0  }
0x16: {  	s3 =	sld [smem:$0x3FDB];
	s0 =	simm.s32 @p2 $0x1  }
0x17: {  	s4 =	simm.s32 $0x1BF5;
	[smem:$0x3FB7] =	sst s0  }
0x18: {  	s0 =	sld [smem:$0x3F9A];
	_ =	swait.ge [sflag:s4], $0x0  }
0x19: {  	s7 =	sld [smem:$0x3F9B]  }
0x1a: {  	s8 =	sadd.s32 $0xFFFFE003, lr  }
0x1b: {  	s9 =	sadd.s32 $0xFFFFFEF7, lr;
	s5 =	simm.s32 $0xFFFFFFFF;
	p2 =	slt.u32 s8, $0xFFFFF086  }
0x1c: {  	p1 =	slt.u32 s9, $0xF7A;
	s5 =	simm.s32 @!p2 $0x0  }
0x1d: {  	s5 =	simm.s32 @p1 $0x1;
	p0 =	seq.s32 s7, s2  }
0x1e: {  	s7 =	smul.u32 @!p0 $0xF7A, s2;
	p2 =	seq.s32 @!p0 s5, $0x0  }
0x1f: {  	s9 =	smul.u32 $0xF7A, s1;
	s8 =	simm.s32 @!p0 $0x1BF5;
	p2 =	por !p2, p0  }
0x20: {  	[sflag:s8] =	ssyncset.s32 @!p0 $0xFFFFF086;
	s6 =	sadd.s32 @!p0 s3, s7;
	s7 =	simm.s32 @!p0 $0x108  }
0x21: {  	s3 =	sadd.s32 s3, s9;
	s6 =	sadd.s32 @!p0 $0x88, s6;
	s7 =	simm.s32 @p2 $0x1082  }
0x22: {  	[simem:s7], [sflag:s8] =	dma.local @!p0 [hbm:s6], $0xF7A  }
0x23: {  	s9 =	sor.u32 $0xD0000000, s2;
	s6 =	simm.s32 $0x108;
	_ =	swait.ge @!p0 [sflag:s8], $0x0  }
0x24: {  	s3 =	sadd.s32 $0x88, s3;
	s6 =	simm.s32 @!p1 $0x1082;
	[sflag:s4] =	ssyncset.s32 $0xFFFFF086  }
0x25: {  	[simem:s6], [sflag:s4] =	dma.local [hbm:s3], $0xF7A  }
0x26: {  	[smem:$0x3F9B] =	sst s1;
	(tag) =	ssettag s2;
	_ =	strace s9  }
0x27: {  	s1 =	sld [smem:$0x3FAB]  }
0x28: {  	s2 =	sld [smem:$0x3FAC]  }
0x29: {  	s4 =	sld [smem:$0x3FAE]  }
0x2a: {  	p0 =	seq.s32 s5, $0x0;
	s5 =	sld [smem:$0x3FAF]  }
0x2b: {  	s6 =	sld [smem:$0x3FB0]  }
0x2c: {  	s7 =	sld [smem:$0x3FB1]  }
0x2d: {  	s3 =	simm.s32 $0x108;
	s8 =	sld [smem:$0x3FB2]  }
0x2e: {  	s3 =	simm.s32 @!p0 $0x1082;
	s9 =	sld [smem:$0x3FB3]  }
0x2f: {  	lr =	sadd.s32 s0, s3;
	s0 =	sld [smem:$0x3FAA]  }
0x30: {  	s3 =	sld [smem:$0x3FAD]  }
0x31: {  	[smem:$0x3FB6] =	sst s10  }
0x32: {  	s10 =	sld [smem:$0x3FB4];
	_ =	sdelay $0x3  }
0x33: {  	p0 =	seq.s32 s10, $0x1;
	s10 =	sld [smem:$0x3FB6];
	_ =	sdelay $0x3  }
0x34: {  	[smem:$0x3FB6] =	sst s10  }
0x35: {  	s10 =	sld [smem:$0x3FB5];
	_ =	sdelay $0x3  }
0x36: {  	p1 =	seq.s32 s10, $0x1;
	s10 =	sld [smem:$0x3FB6];
	_ =	sdelay $0x3  }
0x37: {  	[smem:$0x3FB6] =	sst s10  }
0x38: {  	s10 =	sld [smem:$0x3FB7]  }
0x39: {  	_ = 	snop;
	(pc) =	sbr.ind lr, $3  }
0x3a: {  	_ = 	snop  }
0x3b: {  	_ = 	snop  }
0x3c: {  	p2 =	seq.s32 s10, $0x1;
	s10 =	sld [smem:$0x3FB6]  }
0x3d: {  	_ =	shalt  }
0x3e: {  	_ =	shalt  }
0x3f: {  	_ =	shalt  }
0x40: {  	_ =	shalt  }
0x41: {  	_ =	shalt  }
0x42: {  	_ =	shalt  }
0x43: {  	_ =	shalt  }
0x44: {  	_ =	shalt  }
0x45: {  	_ =	shalt  }
0x46: {  	_ =	shalt  }
0x47: {  	_ =	shalt  }
0x48: {  	_ =	shalt  }
0x49: {  	_ =	shalt  }
0x4a: {  	_ =	shalt  }
0x4b: {  	_ =	shalt  }
0x4c: {  	_ =	shalt  }
0x4d: {  	_ =	shalt  }
0x4e: {  	_ =	shalt  }
0x4f: {  	_ =	shalt  }
0x50: {  	_ =	shalt  }
0x51: {  	_ =	shalt  }
0x52: {  	_ =	shalt  }
0x53: {  	_ =	shalt  }
0x54: {  	_ =	shalt  }
0x55: {  	_ =	shalt  }
0x56: {  	_ =	shalt  }
0x57: {  	_ =	shalt  }
0x58: {  	_ =	shalt  }
0x59: {  	_ =	shalt  }
0x5a: {  	_ =	shalt  }
0x5b: {  	_ =	shalt  }
0x5c: {  	_ =	shalt  }
0x5d: {  	_ =	shalt  }
0x5e: {  	_ =	shalt  }
0x5f: {  	_ =	shalt  }
0x60: {  	_ =	shalt  }
0x61: {  	_ =	shalt  }
0x62: {  	_ =	shalt  }
0x63: {  	_ =	shalt  }
0x64: {  	_ =	shalt  }
0x65: {  	_ =	shalt  }
0x66: {  	_ =	shalt  }
0x67: {  	_ =	shalt  }
0x68: {  	_ =	shalt  }
0x69: {  	_ =	shalt  }
0x6a: {  	_ =	shalt  }
0x6b: {  	_ =	shalt  }
0x6c: {  	_ =	shalt  }
0x6d: {  	_ =	shalt  }
0x6e: {  	_ =	shalt  }
0x6f: {  	_ =	shalt  }
0x70: {  	_ =	shalt  }
0x71: {  	_ =	shalt  }
0x72: {  	_ =	shalt  }
0x73: {  	_ =	shalt  }
0x74: {  	_ =	shalt  }
0x75: {  	_ =	shalt  }
0x76: {  	_ =	shalt  }
0x77: {  	_ =	shalt  }
0x78: {  	_ =	shalt  }
0x79: {  	_ =	shalt  }
0x7a: {  	_ =	shalt  }
0x7b: {  	_ =	shalt  }
0x7c: {  	_ =	shalt  }
0x7d: {  	_ =	shalt  }
0x7e: {  	_ =	shalt  }
0x7f: {  	_ =	shalt  }
0x80: {  	_ =	shalt  }
0x81: {  	_ =	shalt  }
0x82: {  	_ =	shalt  }
0x83: {  	_ =	shalt  }
0x84: {  	_ =	shalt  }
0x85: {  	_ =	shalt  }
0x86: {  	_ =	shalt  }
0x87: {  	_ =	shalt  }
.Lfunc_end0:
.L_simem_size_0:
called_computation_lowered:
.L_overlay_start_0:
0x88: {  	s2 =	sld [smem:$0x3FD9]  }
0x89: {  	s3 =	sld [smem:$0x3FFE];
	_ =	sdelay $0x1  }
0x8a: {  	s1 =	srdreg.scid  }
0x8b: {  	s0 =	sand.u32 $0x1, s1  }
0x8c: {  	s16 =	sshll.u32 s0, $0xA;
	s2 =	sadd.s32 s3, s2  }
0x8d: {  	s2 =	sadd.s32 s2, s16  }
0x8e: {  	[smem:$0x3FC2] =	sst s2  }
0x8f: {  	_ = 	snop  }
0x90: {  	(tm) =	ssettm $0x1  }
0x91: {  	s17 =	sld [smem:$0x3FFB];
	_ =	sdelay $0x3  }
0x92: {  	_ =	strace s17  }
0x93: {  	s2 =	sld [smem:$0x3FFC];
	_ =	sdelay $0x3  }
0x94: {  	_ =	strace s2  }
0x95: {  	s2 =	sld [smem:$0x3FFD];
	_ =	sdelay $0x3  }
0x96: {  	_ =	strace s2  }
0x97: {  	_ =	strace $0x8FFFFFFF  }
0x98: {  	s18 =	sld [smem:$0x3FDB];
	_ =	sdelay $0x1  }
0x99: {  	s19 =	simm.s32 $_scs_section_size  }
0x9a: {  	s4 =	simm.s32 $_size__tile_overlayer_lowered;
	s5 =	simm.s32 $_tile_overlayer_lowered  }
0x9b: {  	s22 =	simm.s32 $0x1BFF;
	s21 =	sshll.u32 s5, $0x1;
	s2 =	sadd.s32 s19, s18  }
0x9c: {  	s6 =	simm.s32 $0x0;
	s20 =	sshll.u32 s4, $0x1;
	s4 =	sadd.s32 s21, s2  }
0x9d: {  	[timem:s6], [sflag:s22] =	dma.local [hbm:s4], s20  }
0x9e: {  	_ =	swait.ge [sflag:s22], s20  }
0x9f: {  	s3 =	ssub.s32 $0x0, s20;
	[sflag:s22] =	ssyncset.done $0x0  }
0xa0: {  	[sflag:s22] =	ssyncadd.s32 s3;
	_ =	sdelay $0x1  }
0xa1: {  	s23 =	simm.s32 $0x1B8B  }
0xa2: {  	_ =	swait.ge [sflag:s23], $0x1  }
0xa3: {  	[sflag:s23] =	ssyncset.done $0x0  }
0xa4: {  	s25 =	simm.s32 $0x1B8E;
	s24 =	sld [smem:$0x3FFE];
	[sflag:s23] =	ssyncadd.s32 $0xFFFFFFFF  }
0xa5: {  	s26 =	simm.s32 $execute0_lowered;
	[smem:$0x3FD2] =	sst s25  }
0xa6: {  	s4 =	sshll.u32 s26, $0x1;
	_ =	strace $0x80000046;
	[dreg:$0x1] =	wrdreg $0xFFFFFFFF  }
0xa7: {  	s28 =	simm.s32 $_size_execute0_lowered;
	s2 =	sadd.s32 s2, s4;
	[dreg:$0x0] =	wrdreg $0x0  }
0xa8: {  	s4 =	sshll.u32 s28, $0x1;
	[dreg:$0x2] =	wrdreg s2  }
0xa9: {  	[dreg:$0x3] =	wrdreg s4  }
0xaa: {  	[dreg:$0x4] =	wrdreg $0xC0  }
0xab: {  	_ =	task [dreg:s6], $0x5FFFF  }
0xac: {  	[dreg:$0x1] =	wrdreg $0xFFFFFFFF  }
0xad: {  	[dreg:$0x0] =	wrdreg $0x60  }
0xae: {  	[dreg:$0x2] =	wrdreg s24  }
0xaf: {  	[dreg:$0x3] =	wrdreg $0x28800  }
0xb0: {  	[dreg:$0x4] =	wrdreg $0x9  }
0xb1: {  	_ =	task.clear_ibuf [dreg:s6], $0x5FFFF;
	_ =	strace $0x90000046  }
0xb2: {  	s29 =	simm.s32 $0x9;
	_ =	strace $0x80000048  }
0xb3: {  	_ =	swait.ge [sflag:s29], $0x1  }
0xb4: {  	[sflag:s29] =	ssyncadd.s32 $0xFFFFFFFF  }
0xb5: {  	_ =	strace $0x90000048  }
0xb6: {  	_ =	sfence  }
0xb7: {  	s30 =	sld [smem:$0x0];
	_ =	sdelay $0x2  }
0xb8: {  	s31 =	sshll.u32 s1, $0xD;
	s1 =	sshrl.u32 s1, $0x2  }
0xb9: {  	s3 =	sand.u32 $0x4000, s31;
	s1 =	sadd.s32 s1, s30  }
0xba: {  	s0 =	sor.u32 s3, s0;
	s1 =	sshll.u32 s1, $0x11  }
0xbb: {  	s0 =	sor.u32 s1, s0  }
0xbc: {  	s0 =	sadd.s32 $0x8F2B, s0  }
0xbd: {  	[sflag:s0] =	ssyncadd.remote.s32 $0x1  }
0xbe: {  	_ =	sfence.sel $0xFFFF  }
0xbf: {  	[dreg:$0x0] =	wrdreg $0xFFFFFFFF;
	(pc) =	sbr.abs _section_cstart, $3  }
0xc0: {  	[dreg:$0x1] =	wrdreg $0xFFFFFFFF  }
0xc1: {  	_ =	task.clear_ibuf [dreg:s6], $0x2FFFF;
	_ =	strace $0x9FFFFFFF  }
0xc2: {  	(tm) =	ssettm $0x7FFFFFFF  }
0xc3: {  	_ =	shalt  }
tec
execute0_lowered:
.L_overlay_start_1:
0x0: {  	(tag) =	ssettag $0x1  }
0x1: {  	s1 =	srdreg.scid;
	s6 =	rddreg [dreg:$0x0]  }
0x2: {  	s0 =	stileid.u32;
	s2 =	rddreg [dreg:$0x1];
	s3 =	simm.s32 $0x0  }
0x3: {  	s13 =	simm.s32 $0x80;
	s14 =	simm.s32 $0x20;
	s15 =	simm.s32 $0x10  }
0x4: {  	s16 =	simm.s32 $0x0;
	s5 =	sand.u32 $0x1, s1;
	s1 =	rddreg [dreg:$0x2]  }
0x5: {  	s28 =	sshll.u32 s0, $0x1;
	[smem:$0x7FF] =	sst s3;
	s7 =	smul.u32 $0x500, s0  }
0x6: {  	s10 =	smul.u32 $0xA00, s0;
	s11 =	sshll.u32 s0, $0x6;
	s4 =	sor.u32 s5, s28  }
0x7: {  	_ =	strace $0x80000047;
	s8 =	sshll.u32 s5, $0x7;
	s29 =	ssub.s32 $0x2, s5  }
0x8: {  	s5 =	sadd.s32 $0xC800, s6;
	s11 =	sor.u32 $0x1C01, s11;
	s4 =	smul.u32 $0x500, s4  }
0x9: {  	s7 =	sor.u32 s8, s7;
	s30 =	sshrl.u32 s29, $0x1;
	s31 =	sshrl.u32 s10, $0x2  }
0xa: {  	s10 =	simm.s32 $0x2800;
	s7 =	sshrl.u32 s7, $0x3;
	s8 =	ssub.s32 s29, s30  }
0xb: {  	s12 =	sadd.s32 s31, s2;
	s9 =	sadd.s32 s4, s6;
	s4 =	sadd.s32 $0xCA00, s6  }
0xc: {  	s7 =	sadd.s32 s7, s6;
	s8 =	smax.u32 s8, $0x1;
	s12 =	sshrl.u32 s12, $0x3  }
0xd: {  	s6 =	sadd.s32 $0x2800, s9;
	s7 =	sadd.s32 $0xCC00, s7;
	s9 =	simm.s32 $0x1  }
.LBB2_1:
0xe: {  	[tilespmem:s3], [sflag:$0x1] =	stream.linear.gather [hbm4b:s6+s3], $0x2800, $0x38;
	[tilespmem:$0x2B00] =	vst v63  }
0xf: {  	_ =	swait.ge [sflag:s9], $0x2800  }
0x10: {  	[sflag:s9] =	ssyncset.done $0x0  }
0x11: {  	[sflag:s9] =	ssyncadd.s32 $0xFFFFD800  }
0x12: {  	[tilespmem:s10], [sflag:$0x1] =	stream.linear.gather [hbm4b:s4+s3], $0x80, $0x38;
	[tilespmem:$0x2B00] =	vst v63  }
0x13: {  	_ =	swait.ge [sflag:s9], $0x80  }
0x14: {  	[sflag:s9] =	ssyncset.done $0x0  }
0x15: {  	[sflag:s9] =	ssyncadd.s32 $0xFFFFFF80  }
0x16: {  	[spmem:s12], [sflag:s11] =	dma.local [hbm:s5], $0x50  }
0x17: {  	_ =	swait.ge [sflag:s9], $0x50  }
0x18: {  	[sflag:s9] =	ssyncset.done $0x0  }
0x19: {  	[sflag:s9] =	ssyncadd.s32 $0xFFFFFFB0  }
0x1a: {  	s17 =	simm.s32 $0x0;
	[bflag:$0x0] =	sbarrier.arrive $0xFFFF  }
0x1b: {  	[spmem:s2] =	stream.indirect.scatter.add.f32 [tilespmem:s10], [sflag:$0x1], $0x1, s17, s13, $0xb8;
	[tilespmem:$0x2B00] =	vst v63  }
0x1c: {  	_ =	swait.ge [sflag:s9], $0x80  }
0x1d: {  	s17 =	simm.s32 $0x200;
	[sflag:s9] =	ssyncset.done $0x0  }
.LBB2_2:
0x1e: {  	s18 =	sshra.s32 s17, $0x2;
	[sflag:s9] =	ssyncadd.s32 $0xFFFFFF80;
	p0 =	sne.s32 s17, $0x9E00  }
0x1f: {  	[spmem:s2] =	stream.indirect.scatter.add.f32 [tilespmem:s10], [sflag:$0x1], $0x1, s18, s13, $0xb8;
	[tilespmem:$0x2B00] =	vst v63  }
.Ltmp0:
0x20: {  	_ = 	snop;
	(pc) =	sbr.rel @p0 .LBB2_2-.Ltmp0, $4  }
0x21: {  	_ = 	snop  }
0x22: {  	s17 =	sadd.s32 $0x200, s17  }
0x23: {  	_ =	swait.ge [sflag:s9], $0x80  }
0x24: {  	[sflag:s9] =	ssyncset.done $0x0  }
0x25: {  	s16 =	sadd.s32 $0x1, s16  }
0x26: {  	[sflag:s9] =	ssyncadd.s32 $0xFFFFFF80;
	p0 =	sne.s32 s16, s8  }
.Ltmp1:
0x27: {  	[bflag:$0x0] =	sbarrier.arrive $0xFFFF;
	(pc) =	sbr.rel @p0 .LBB2_1-.Ltmp1, $4  }
0x28: {  	[hbm:s7@s14], [sflag:s11] =	dma.strided [spmem:s12@s15], $0x50, s9, $0x10   }
0x29: {  	_ =	swait.ge [sflag:s9], $0x50  }
0x2a: {  	[sflag:s9] =	ssyncset.done $0x0  }
0x2b: {  	[sflag:s9] =	ssyncadd.s32 $0xFFFFFFB0  }
0x2c: {  	_ =	sfence.sel $0x180000  }
0x2d: {  	[bflag:$0x0] =	sbarrier.arrive $0xFFFF  }
0x2e: {  	p0 =	sne.s32 s0, $0x0;
	_ =	strace $0x90000047  }
0x2f: {  	s0 =	sadd.s32 @!p0 $0x100000, s1;
	[bflag:$0x2] =	sbarrier.arrive $0xFFFF  }
0x30: {  	[sflag:s0] =	ssyncadd.tile.s32 @!p0 $0x1;
	_ =	shalt  }
.Lfunc_end2:
_tile_overlayer_lowered:
.L_overlay_start_2:
0x31: {  	(tag) =	ssettag $0x2  }
0x32: {  	s0 =	rddreg [dreg:$0x0];
	s2 =	stileid.u32  }
0x33: {  	s1 =	rddreg [dreg:$0x1];
	p0 =	sne.s32 s2, $0x0  }
0x34: {  	s3 =	rddreg [dreg:$0x2];
	[bflag:$0x3] =	sbarrier.arrive $0xFFFF;
	s2 =	simm.s32 @!p0 $0x1C01  }
0x35: {  	[timem:s3], [sflag:s2] =	dma.local @!p0 [hbm:s0], s1  }
0x36: {  	s0 =	simm.s32 @!p0 $0x1  }
0x37: {  	_ =	swait.ge @!p0 [sflag:s0], s1  }
0x38: {  	s1 =	ssub.s32 @!p0 $0x0, s1;
	[sflag:s0] =	ssyncset.done @!p0 $0x0  }
0x39: {  	[sflag:s0] =	ssyncadd.s32 @!p0 s1  }
0x3a: {  	[bflag:$0x3] =	sbarrier.arrive $0xFFFF  }
0x3b: {  	_ =	shalt  }

</sc_bundles>
